<compile_context>
chip_gen: v7x
topology: tpu7x:2x2x1
jax: 0.10.2.dev20260603
libtpu: 0.0.44.dev20260713+nightly
codegen_flags: <defaults>
</compile_context>

<pallas_src>
import jax
import jax.numpy as jnp
from jax import lax
from jax.experimental import pallas as pl
from jax.experimental.pallas import tpu as pltpu
from jax.experimental.pallas import tpu_sc as plsc

DELTA = 0.1
EPS = 1e-10

_B, _H, _W, _C = 16, 384, 384, 2000
_L = 16
_NJ = 63
_CPAD = 1024
_GCH = _CPAD // 128


def _whdr_body(table, comps, ncmp, out,
               comp_v, nc_v, idx1, idx2, vals1, vals2, red_v, sem):
    core = lax.axis_index("c")
    b = lax.axis_index("s")
    iota = lax.iota(jnp.int32, _L)
    zeros_i = jnp.zeros((_L,), jnp.int32)

    pltpu.sync_copy(comps.at[b], comp_v)
    pltpu.sync_copy(ncmp, nc_v)
    base = b * _H * _W

    def idx_block(g, _):
        for i in range(8):
            j = g * 8 + i
            k = 2 * j + core
            row = iota + k * _L
            rowc = jnp.minimum(row, _C - 1)
            ok = row < _C
            rc6 = rowc * 6
            x1 = plsc.load_gather(comp_v, [rc6])
            y1 = plsc.load_gather(comp_v, [rc6 + 1])
            x2 = plsc.load_gather(comp_v, [rc6 + 2])
            y2 = plsc.load_gather(comp_v, [rc6 + 3])
            i1 = jnp.where(ok, base + y1 * _W + x1, 0)
            i2 = jnp.where(ok, base + y2 * _W + x2, 0)
            idx1[g, pl.ds(i * _L, _L)] = i1
            idx2[g, pl.ds(i * _L, _L)] = i2
        pltpu.async_copy(table.at[idx1.at[g]],
                         vals1.at[pl.ds(g * 128, 128)], sem)
        pltpu.async_copy(table.at[idx2.at[g]],
                         vals2.at[pl.ds(g * 128, 128)], sem)
        return 0

    lax.fori_loop(0, _GCH, idx_block, 0)

    def drain(g, _):
        pltpu.make_async_copy(table.at[idx1.at[0]],
                              vals1.at[pl.ds(0, 128)], sem).wait()
        pltpu.make_async_copy(table.at[idx2.at[0]],
                              vals2.at[pl.ds(0, 128)], sem).wait()
        return 0

    lax.fori_loop(0, _GCH, drain, 0)

    nb = plsc.load_gather(nc_v, [zeros_i + b])

    def acc_block(j, carry):
        am, aw = carry
        k = 2 * j + core
        row = iota + k * _L
        rowc = jnp.minimum(row, _C - 1)
        r1 = vals1[pl.ds(j * _L, _L)]
        r2 = vals2[pl.ds(j * _L, _L)]
        rc6 = rowc * 6
        dk = plsc.load_gather(comp_v, [rc6 + 4])
        wt = plsc.load_gather(comp_v, [rc6 + 5])
        wf = wt.astype(jnp.float32)
        alg = jnp.where(r2 / (r1 + EPS) > 1.0 + DELTA, 1,
                        jnp.where(r1 / (r2 + EPS) > 1.0 + DELTA, 2, 0))
        valid = row < nb
        mism = (alg != dk) & valid
        am = am + jnp.where(mism, wf, 0.0)
        aw = aw + jnp.where(valid, wf, 0.0)
        return am, aw

    z = jnp.zeros((_L,), jnp.float32)
    am, aw = lax.fori_loop(0, _NJ, acc_block, (z, z))
    red_v[...] = jnp.where(iota == 0, jnp.sum(am),
                           jnp.where(iota == 1, jnp.sum(aw),
                                     jnp.float32(0.0)))
    pltpu.sync_copy(red_v, out.at[2 * b + core])


def _mean_body(r_ref, o_ref):
    x = r_ref[...].reshape(_B, 2, _L)
    am = x[:, 0, 0] + x[:, 1, 0]
    aw = x[:, 0, 1] + x[:, 1, 1]
    o_ref[...] = jnp.mean(am / aw).reshape(1, 1)


def kernel(v_input, comparisons, numComparisons):
    table = v_input.reshape(_B * _H * _W)
    comps = comparisons.reshape(_B, _C * 6)
    mesh = plsc.VectorSubcoreMesh(core_axis_name="c", subcore_axis_name="s")
    sc_fn = pl.kernel(
        _whdr_body,
        out_type=jax.ShapeDtypeStruct((2 * _B, _L), jnp.float32),
        mesh=mesh,
        compiler_params=pltpu.CompilerParams(
            needs_layout_passes=False, use_tc_tiling_on_sc=False),
        scratch_types=[
            pltpu.VMEM((_C * 6,), jnp.int32),
            pltpu.VMEM((_B,), jnp.int32),
            pltpu.VMEM((_GCH, 128), jnp.int32),
            pltpu.VMEM((_GCH, 128), jnp.int32),
            pltpu.VMEM((_CPAD,), jnp.float32),
            pltpu.VMEM((_CPAD,), jnp.float32),
            pltpu.VMEM((_L,), jnp.float32),
            pltpu.SemaphoreType.DMA,
        ],
    )
    partials = sc_fn(table, comps, numComparisons)
    total = pl.pallas_call(
        _mean_body,
        out_shape=jax.ShapeDtypeStruct((1, 1), jnp.float32),
    )(partials)
    return total.reshape(1)

# --- scband reference (transcript-rebuilt; emitter-appended) ---
"""Pipeline reference for scband-whdr-test-loss-paper-15994458211238 (READ-ONLY COPY).

The authoritative reference and input builder live on the scoring server;
editing this copy changes nothing except your own understanding.
"""

import jax, jax.numpy as jnp
import numpy as np

DELTA = 0.1
EPS = 1e-10


def setup_inputs(seed: int = 0) -> dict:
    key = jax.random.key(seed)
    k1, k2, k3, k4, k5, k6 = jax.random.split(key, 6)
    B, H, W, C = 16, 384, 384, 2000
    v_input = jax.random.uniform(k1, (B, 1, H, W), dtype=jnp.float32)
    x1 = jax.random.randint(k2, (B, C), 0, W)
    y1 = jax.random.randint(k3, (B, C), 0, H)
    x2 = jax.random.randint(k4, (B, C), 0, W)
    y2 = jax.random.randint(k5, (B, C), 0, H)
    dk, wk = jax.random.split(k6)
    darker = jax.random.randint(dk, (B, C), 0, 3)
    weight = jax.random.randint(wk, (B, C), 1, 10)
    comparisons = jnp.stack([x1, y1, x2, y2, darker, weight], axis=-1).astype(jnp.int32)
    numComparisons = jnp.full((B,), C, dtype=jnp.int32)
    return {"v_input": v_input, "comparisons": comparisons, "numComparisons": numComparisons}


def reference(v_input, comparisons, numComparisons):
    # Faithful vectorized translation of the per-comparison python loops.
    B = v_input.shape[0]
    C = comparisons.shape[1]
    x1 = comparisons[:, :, 0]
    y1 = comparisons[:, :, 1]
    x2 = comparisons[:, :, 2]
    y2 = comparisons[:, :, 3]
    darker = comparisons[:, :, 4]
    weight = comparisons[:, :, 5].astype(jnp.float32)
    b_idx = jnp.arange(B)[:, None]
    # gather reflectance values at comparison endpoints: v_input[count, 0, y, x]
    r1 = v_input[b_idx, 0, y1, x1]
    r2 = v_input[b_idx, 0, y2, x2]
    alg = jnp.where(r2 / (r1 + EPS) > 1.0 + DELTA,
                    1,
                    jnp.where(r1 / (r2 + EPS) > 1.0 + DELTA, 2, 0))
    valid = (jnp.arange(C)[None, :] < numComparisons[:, None])
    mismatch = (alg != darker) & valid
    w_valid = weight * valid.astype(jnp.float32)
    per_image = jnp.sum(w_valid * mismatch.astype(jnp.float32), axis=1) / jnp.sum(w_valid, axis=1)
    total = jnp.mean(per_image)
    return total.reshape(1)

if __name__ == "__main__":
    import jax
    _d = setup_inputs()
    print(jax.jit(kernel)(*tuple(_d.values())))

</pallas_src>

<mosaic_0001>
#map = affine_map<(d0, d1) -> (0)>
#map1 = affine_map<(d0, d1) -> (0, 0)>
module attributes {stable_mosaic.version = 14 : i64} {
  func.func @_whdr_body(%arg0: i32, %arg1: i32, %arg2: memref<2359296xf32, #tpu.memory_space<hbm>>, %arg3: memref<16x12000xi32, #tpu.memory_space<hbm>>, %arg4: memref<16xi32, #tpu.memory_space<hbm>>, %arg5: memref<32x16xf32, #tpu.memory_space<hbm>>, %arg6: memref<12000xi32, #tpu.memory_space<vmem>>, %arg7: memref<16xi32, #tpu.memory_space<vmem>>, %arg8: memref<8x128xi32, #tpu.memory_space<vmem>>, %arg9: memref<8x128xi32, #tpu.memory_space<vmem>>, %arg10: memref<1024xf32, #tpu.memory_space<vmem>>, %arg11: memref<1024xf32, #tpu.memory_space<vmem>>, %arg12: memref<16xf32, #tpu.memory_space<vmem>>, %arg13: memref<!tpu.dma_semaphore, #tpu.memory_space<semaphore_mem>>) attributes {dimension_semantics = [#tpu.dimension_semantics<core_parallel>, #tpu.dimension_semantics<subcore_parallel>], iteration_bounds = array<i64: 2, 16>, scalar_prefetch = 0 : i64, scratch_operands = 8 : i64, tpu.core_type = #tpu.core_type<sc_vector_subcore>, window_params = [{transform_indices = #map}, {transform_indices = #map1}, {transform_indices = #map}, {transform_indices = #map1}]} {
    %iota3A = tpu.iota {dimensions = array<i32: 0>} : vector<16xi32>
    %broadcast_in_dim3A = arith.constant 0 : i32
    %broadcast_in_dim3A_0 = vector.broadcast %broadcast_in_dim3A : i32 to vector<16xi32>
    "tpu.region"() ({
      %run_scoped3A = tpu.sem_alloc : memref<!tpu.dma_semaphore, #tpu.memory_space<semaphore_mem>>
      %dma_start3A = arith.constant 0 : i32
      %dma_start3A_46 = tpu.memref_slice %arg3[%arg1, %dma_start3A] : memref<16x12000xi32, #tpu.memory_space<hbm>> -> memref<1x12000xi32, #tpu.memory_space<hbm>>
      %dma_start3A_47 = tpu.memref_squeeze %dma_start3A_46 : memref<1x12000xi32, #tpu.memory_space<hbm>> -> memref<12000xi32, #tpu.memory_space<hbm>>
      %dma_start3A_48 = arith.constant 0 : i32
      %dma_start3A_49 = tpu.memref_slice %arg3[%arg1, %dma_start3A_48] : memref<16x12000xi32, #tpu.memory_space<hbm>> -> memref<1x12000xi32, #tpu.memory_space<hbm>>
      %dma_start3A_50 = tpu.memref_squeeze %dma_start3A_49 : memref<1x12000xi32, #tpu.memory_space<hbm>> -> memref<12000xi32, #tpu.memory_space<hbm>>
      tpu.enqueue_dma source(%dma_start3A_50 : memref<12000xi32, #tpu.memory_space<hbm>>) target(%arg6 : memref<12000xi32, #tpu.memory_space<vmem>>) target_semaphore(%run_scoped3A : memref<!tpu.dma_semaphore, #tpu.memory_space<semaphore_mem>>)
      %dma_wait3A = arith.constant 0 : i32
      %dma_wait3A_51 = tpu.memref_slice %arg3[%arg1, %dma_wait3A] : memref<16x12000xi32, #tpu.memory_space<hbm>> -> memref<1x12000xi32, #tpu.memory_space<hbm>>
      %dma_wait3A_52 = tpu.memref_squeeze %dma_wait3A_51 : memref<1x12000xi32, #tpu.memory_space<hbm>> -> memref<12000xi32, #tpu.memory_space<hbm>>
      %dma_wait3A_53 = arith.constant 0 : i32
      %dma_wait3A_54 = tpu.memref_slice %arg3[%arg1, %dma_wait3A_53] : memref<16x12000xi32, #tpu.memory_space<hbm>> -> memref<1x12000xi32, #tpu.memory_space<hbm>>
      %dma_wait3A_55 = tpu.memref_squeeze %dma_wait3A_54 : memref<1x12000xi32, #tpu.memory_space<hbm>> -> memref<12000xi32, #tpu.memory_space<hbm>>
      tpu.wait_dma2 semaphore(%run_scoped3A : memref<!tpu.dma_semaphore, #tpu.memory_space<semaphore_mem>>) src(%dma_wait3A_55 : memref<12000xi32, #tpu.memory_space<hbm>>) dst(%arg6 : memref<12000xi32, #tpu.memory_space<vmem>>)
      tpu.yield
    }) : () -> ()
    "tpu.region"() ({
      %run_scoped3A = tpu.sem_alloc : memref<!tpu.dma_semaphore, #tpu.memory_space<semaphore_mem>>
      tpu.enqueue_dma source(%arg4 : memref<16xi32, #tpu.memory_space<hbm>>) target(%arg7 : memref<16xi32, #tpu.memory_space<vmem>>) target_semaphore(%run_scoped3A : memref<!tpu.dma_semaphore, #tpu.memory_space<semaphore_mem>>)
      tpu.wait_dma2 semaphore(%run_scoped3A : memref<!tpu.dma_semaphore, #tpu.memory_space<semaphore_mem>>) src(%arg4 : memref<16xi32, #tpu.memory_space<hbm>>) dst(%arg7 : memref<16xi32, #tpu.memory_space<vmem>>)
      tpu.yield
    }) : () -> ()
    %mul3A = arith.constant 384 : i32
    %mul3A_1 = arith.muli %arg1, %mul3A : i32
    %mul3A_2 = arith.constant 384 : i32
    %mul3A_3 = arith.muli %mul3A_1, %mul3A_2 : i32
    %scan3A = arith.constant 0 : i32
    %scan3A_4 = arith.constant 0 : i32
    %scan3A_5 = arith.constant 8 : i32
    %scan3A_6 = arith.addi %scan3A_4, %scan3A_5 : i32
    %scan3A_7 = arith.constant 1 : i32
    %scan3A_8 = scf.for %scan3A_46 = %scan3A_4 to %scan3A_6 step %scan3A_7 iter_args(%scan3A_47 = %scan3A) -> (i32)  : i32 {
      %mul3A_48 = arith.constant 8 : i32
      %mul3A_49 = arith.muli %scan3A_46, %mul3A_48 : i32
      %add3A_50 = arith.constant 0 : i32
      %add3A_51 = arith.addi %mul3A_49, %add3A_50 : i32
      %mul3A_52 = arith.constant 2 : i32
      %mul3A_53 = arith.muli %mul3A_52, %add3A_51 : i32
      %add3A_54 = arith.addi %mul3A_53, %arg0 : i32
      %mul3A_55 = arith.constant 16 : i32
      %mul3A_56 = arith.muli %add3A_54, %mul3A_55 : i32
      %add3A_57 = vector.broadcast %mul3A_56 : i32 to vector<16xi32>
      %add3A_58 = arith.addi %iota3A, %add3A_57 : vector<16xi32>
      %min3A = arith.constant 1999 : i32
      %min3A_59 = vector.broadcast %min3A : i32 to vector<16xi32>
      %min3A_60 = arith.minsi %add3A_58, %min3A_59 : vector<16xi32>
      %lt3A = arith.constant 2000 : i32
      %lt3A_61 = vector.broadcast %lt3A : i32 to vector<16xi32>
      %lt3A_62 = arith.cmpi slt, %add3A_58, %lt3A_61 : vector<16xi32>
      %mul3A_63 = arith.constant 6 : i32
      %mul3A_64 = vector.broadcast %mul3A_63 : i32 to vector<16xi32>
      %mul3A_65 = arith.muli %min3A_60, %mul3A_64 : vector<16xi32>
      %gather3A_66 = tpu.vector_load_idx %arg6[%mul3A_65] : memref<12000xi32, #tpu.memory_space<vmem>>[vector<16xi32>], vector<16xi32>,
      %add3A_67 = arith.constant 1 : i32
      %add3A_68 = vector.broadcast %add3A_67 : i32 to vector<16xi32>
      %add3A_69 = arith.addi %mul3A_65, %add3A_68 : vector<16xi32>
      %gather3A_70 = tpu.vector_load_idx %arg6[%add3A_69] : memref<12000xi32, #tpu.memory_space<vmem>>[vector<16xi32>], vector<16xi32>,
      %add3A_71 = arith.constant 2 : i32
      %add3A_72 = vector.broadcast %add3A_71 : i32 to vector<16xi32>
      %add3A_73 = arith.addi %mul3A_65, %add3A_72 : vector<16xi32>
      %gather3A_74 = tpu.vector_load_idx %arg6[%add3A_73] : memref<12000xi32, #tpu.memory_space<vmem>>[vector<16xi32>], vector<16xi32>,
      %add3A_75 = arith.constant 3 : i32
      %add3A_76 = vector.broadcast %add3A_75 : i32 to vector<16xi32>
      %add3A_77 = arith.addi %mul3A_65, %add3A_76 : vector<16xi32>
      %gather3A_78 = tpu.vector_load_idx %arg6[%add3A_77] : memref<12000xi32, #tpu.memory_space<vmem>>[vector<16xi32>], vector<16xi32>,
      %mul3A_79 = arith.constant 384 : i32
      %mul3A_80 = vector.broadcast %mul3A_79 : i32 to vector<16xi32>
      %mul3A_81 = arith.muli %gather3A_70, %mul3A_80 : vector<16xi32>
      %add3A_82 = vector.broadcast %mul3A_3 : i32 to vector<16xi32>
      %add3A_83 = arith.addi %add3A_82, %mul3A_81 : vector<16xi32>
      %add3A_84 = arith.addi %add3A_83, %gather3A_66 : vector<16xi32>
      %jit3A_85 = arith.constant 0 : i32
      %broadcast_in_dim3A_86 = vector.broadcast %jit3A_85 : i32 to vector<16xi32>
      %select_n3A_87 = arith.select %lt3A_62, %add3A_84, %broadcast_in_dim3A_86 : vector<16xi1>, vector<16xi32>
      %mul3A_88 = arith.constant 384 : i32
      %mul3A_89 = vector.broadcast %mul3A_88 : i32 to vector<16xi32>
      %mul3A_90 = arith.muli %gather3A_78, %mul3A_89 : vector<16xi32>
      %add3A_91 = vector.broadcast %mul3A_3 : i32 to vector<16xi32>
      %add3A_92 = arith.addi %add3A_91, %mul3A_90 : vector<16xi32>
      %add3A_93 = arith.addi %add3A_92, %gather3A_74 : vector<16xi32>
      %jit3A_94 = arith.constant 0 : i32
      %broadcast_in_dim3A_95 = vector.broadcast %jit3A_94 : i32 to vector<16xi32>
      %select_n3A_96 = arith.select %lt3A_62, %add3A_93, %broadcast_in_dim3A_95 : vector<16xi1>, vector<16xi32>
      %swap3A_97 = arith.index_cast %scan3A_46 : i32 to index
      %swap3A_98 = arith.constant 0 : index
      %swap3A_99 = tpu.vector_load %arg8[%swap3A_97, %swap3A_98] {strides = array<i32>} : memref<8x128xi32, #tpu.memory_space<vmem>>, vector<16xi32>,
      tpu.vector_store %arg8[%swap3A_97, %swap3A_98], %select_n3A_87 {strides = array<i32>} : memref<8x128xi32, #tpu.memory_space<vmem>>, vector<16xi32>,
      %swap3A_100 = arith.index_cast %scan3A_46 : i32 to index
      %swap3A_101 = arith.constant 0 : index
      %swap3A_102 = tpu.vector_load %arg9[%swap3A_100, %swap3A_101] {strides = array<i32>} : memref<8x128xi32, #tpu.memory_space<vmem>>, vector<16xi32>,
      tpu.vector_store %arg9[%swap3A_100, %swap3A_101], %select_n3A_96 {strides = array<i32>} : memref<8x128xi32, #tpu.memory_space<vmem>>, vector<16xi32>,
      %mul3A_103 = arith.constant 8 : i32
      %mul3A_104 = arith.muli %scan3A_46, %mul3A_103 : i32
      %add3A_105 = arith.constant 1 : i32
      %add3A_106 = arith.addi %mul3A_104, %add3A_105 : i32
      %mul3A_107 = arith.constant 2 : i32
      %mul3A_108 = arith.muli %mul3A_107, %add3A_106 : i32
      %add3A_109 = arith.addi %mul3A_108, %arg0 : i32
      %mul3A_110 = arith.constant 16 : i32
      %mul3A_111 = arith.muli %add3A_109, %mul3A_110 : i32
      %add3A_112 = vector.broadcast %mul3A_111 : i32 to vector<16xi32>
      %add3A_113 = arith.addi %iota3A, %add3A_112 : vector<16xi32>
      %min3A_114 = arith.constant 1999 : i32
      %min3A_115 = vector.broadcast %min3A_114 : i32 to vector<16xi32>
      %min3A_116 = arith.minsi %add3A_113, %min3A_115 : vector<16xi32>
      %lt3A_117 = arith.constant 2000 : i32
      %lt3A_118 = vector.broadcast %lt3A_117 : i32 to vector<16xi32>
      %lt3A_119 = arith.cmpi slt, %add3A_113, %lt3A_118 : vector<16xi32>
      %mul3A_120 = arith.constant 6 : i32
      %mul3A_121 = vector.broadcast %mul3A_120 : i32 to vector<16xi32>
      %mul3A_122 = arith.muli %min3A_116, %mul3A_121 : vector<16xi32>
      %gather3A_123 = tpu.vector_load_idx %arg6[%mul3A_122] : memref<12000xi32, #tpu.memory_space<vmem>>[vector<16xi32>], vector<16xi32>,
      %add3A_124 = arith.constant 1 : i32
      %add3A_125 = vector.broadcast %add3A_124 : i32 to vector<16xi32>
      %add3A_126 = arith.addi %mul3A_122, %add3A_125 : vector<16xi32>
      %gather3A_127 = tpu.vector_load_idx %arg6[%add3A_126] : memref<12000xi32, #tpu.memory_space<vmem>>[vector<16xi32>], vector<16xi32>,
      %add3A_128 = arith.constant 2 : i32
      %add3A_129 = vector.broadcast %add3A_128 : i32 to vector<16xi32>
      %add3A_130 = arith.addi %mul3A_122, %add3A_129 : vector<16xi32>
      %gather3A_131 = tpu.vector_load_idx %arg6[%add3A_130] : memref<12000xi32, #tpu.memory_space<vmem>>[vector<16xi32>], vector<16xi32>,
      %add3A_132 = arith.constant 3 : i32
      %add3A_133 = vector.broadcast %add3A_132 : i32 to vector<16xi32>
      %add3A_134 = arith.addi %mul3A_122, %add3A_133 : vector<16xi32>
      %gather3A_135 = tpu.vector_load_idx %arg6[%add3A_134] : memref<12000xi32, #tpu.memory_space<vmem>>[vector<16xi32>], vector<16xi32>,
      %mul3A_136 = arith.constant 384 : i32
      %mul3A_137 = vector.broadcast %mul3A_136 : i32 to vector<16xi32>
      %mul3A_138 = arith.muli %gather3A_127, %mul3A_137 : vector<16xi32>
      %add3A_139 = vector.broadcast %mul3A_3 : i32 to vector<16xi32>
      %add3A_140 = arith.addi %add3A_139, %mul3A_138 : vector<16xi32>
      %add3A_141 = arith.addi %add3A_140, %gather3A_123 : vector<16xi32>
      %jit3A_142 = arith.constant 0 : i32
      %broadcast_in_dim3A_143 = vector.broadcast %jit3A_142 : i32 to vector<16xi32>
      %select_n3A_144 = arith.select %lt3A_119, %add3A_141, %broadcast_in_dim3A_143 : vector<16xi1>, vector<16xi32>
      %mul3A_145 = arith.constant 384 : i32
      %mul3A_146 = vector.broadcast %mul3A_145 : i32 to vector<16xi32>
      %mul3A_147 = arith.muli %gather3A_135, %mul3A_146 : vector<16xi32>
      %add3A_148 = vector.broadcast %mul3A_3 : i32 to vector<16xi32>
      %add3A_149 = arith.addi %add3A_148, %mul3A_147 : vector<16xi32>
      %add3A_150 = arith.addi %add3A_149, %gather3A_131 : vector<16xi32>
      %jit3A_151 = arith.constant 0 : i32
      %broadcast_in_dim3A_152 = vector.broadcast %jit3A_151 : i32 to vector<16xi32>
      %select_n3A_153 = arith.select %lt3A_119, %add3A_150, %broadcast_in_dim3A_152 : vector<16xi1>, vector<16xi32>
      %swap3A_154 = arith.index_cast %scan3A_46 : i32 to index
      %swap3A_155 = arith.constant 16 : index
      %swap3A_156 = tpu.vector_load %arg8[%swap3A_154, %swap3A_155] {strides = array<i32>} : memref<8x128xi32, #tpu.memory_space<vmem>>, vector<16xi32>,
      tpu.vector_store %arg8[%swap3A_154, %swap3A_155], %select_n3A_144 {strides = array<i32>} : memref<8x128xi32, #tpu.memory_space<vmem>>, vector<16xi32>,
      %swap3A_157 = arith.index_cast %scan3A_46 : i32 to index
      %swap3A_158 = arith.constant 16 : index
      %swap3A_159 = tpu.vector_load %arg9[%swap3A_157, %swap3A_158] {strides = array<i32>} : memref<8x128xi32, #tpu.memory_space<vmem>>, vector<16xi32>,
      tpu.vector_store %arg9[%swap3A_157, %swap3A_158], %select_n3A_153 {strides = array<i32>} : memref<8x128xi32, #tpu.memory_space<vmem>>, vector<16xi32>,
      %mul3A_160 = arith.constant 8 : i32
      %mul3A_161 = arith.muli %scan3A_46, %mul3A_160 : i32
      %add3A_162 = arith.constant 2 : i32
      %add3A_163 = arith.addi %mul3A_161, %add3A_162 : i32
      %mul3A_164 = arith.constant 2 : i32
      %mul3A_165 = arith.muli %mul3A_164, %add3A_163 : i32
      %add3A_166 = arith.addi %mul3A_165, %arg0 : i32
      %mul3A_167 = arith.constant 16 : i32
      %mul3A_168 = arith.muli %add3A_166, %mul3A_167 : i32
      %add3A_169 = vector.broadcast %mul3A_168 : i32 to vector<16xi32>
      %add3A_170 = arith.addi %iota3A, %add3A_169 : vector<16xi32>
      %min3A_171 = arith.constant 1999 : i32
      %min3A_172 = vector.broadcast %min3A_171 : i32 to vector<16xi32>
      %min3A_173 = arith.minsi %add3A_170, %min3A_172 : vector<16xi32>
      %lt3A_174 = arith.constant 2000 : i32
      %lt3A_175 = vector.broadcast %lt3A_174 : i32 to vector<16xi32>
      %lt3A_176 = arith.cmpi slt, %add3A_170, %lt3A_175 : vector<16xi32>
      %mul3A_177 = arith.constant 6 : i32
      %mul3A_178 = vector.broadcast %mul3A_177 : i32 to vector<16xi32>
      %mul3A_179 = arith.muli %min3A_173, %mul3A_178 : vector<16xi32>
      %gather3A_180 = tpu.vector_load_idx %arg6[%mul3A_179] : memref<12000xi32, #tpu.memory_space<vmem>>[vector<16xi32>], vector<16xi32>,
      %add3A_181 = arith.constant 1 : i32
      %add3A_182 = vector.broadcast %add3A_181 : i32 to vector<16xi32>
      %add3A_183 = arith.addi %mul3A_179, %add3A_182 : vector<16xi32>
      %gather3A_184 = tpu.vector_load_idx %arg6[%add3A_183] : memref<12000xi32, #tpu.memory_space<vmem>>[vector<16xi32>], vector<16xi32>,
      %add3A_185 = arith.constant 2 : i32
      %add3A_186 = vector.broadcast %add3A_185 : i32 to vector<16xi32>
      %add3A_187 = arith.addi %mul3A_179, %add3A_186 : vector<16xi32>
      %gather3A_188 = tpu.vector_load_idx %arg6[%add3A_187] : memref<12000xi32, #tpu.memory_space<vmem>>[vector<16xi32>], vector<16xi32>,
      %add3A_189 = arith.constant 3 : i32
      %add3A_190 = vector.broadcast %add3A_189 : i32 to vector<16xi32>
      %add3A_191 = arith.addi %mul3A_179, %add3A_190 : vector<16xi32>
      %gather3A_192 = tpu.vector_load_idx %arg6[%add3A_191] : memref<12000xi32, #tpu.memory_space<vmem>>[vector<16xi32>], vector<16xi32>,
      %mul3A_193 = arith.constant 384 : i32
      %mul3A_194 = vector.broadcast %mul3A_193 : i32 to vector<16xi32>
      %mul3A_195 = arith.muli %gather3A_184, %mul3A_194 : vector<16xi32>
      %add3A_196 = vector.broadcast %mul3A_3 : i32 to vector<16xi32>
      %add3A_197 = arith.addi %add3A_196, %mul3A_195 : vector<16xi32>
      %add3A_198 = arith.addi %add3A_197, %gather3A_180 : vector<16xi32>
      %jit3A_199 = arith.constant 0 : i32
      %broadcast_in_dim3A_200 = vector.broadcast %jit3A_199 : i32 to vector<16xi32>
      %select_n3A_201 = arith.select %lt3A_176, %add3A_198, %broadcast_in_dim3A_200 : vector<16xi1>, vector<16xi32>
      %mul3A_202 = arith.constant 384 : i32
      %mul3A_203 = vector.broadcast %mul3A_202 : i32 to vector<16xi32>
      %mul3A_204 = arith.muli %gather3A_192, %mul3A_203 : vector<16xi32>
      %add3A_205 = vector.broadcast %mul3A_3 : i32 to vector<16xi32>
      %add3A_206 = arith.addi %add3A_205, %mul3A_204 : vector<16xi32>
      %add3A_207 = arith.addi %add3A_206, %gather3A_188 : vector<16xi32>
      %jit3A_208 = arith.constant 0 : i32
      %broadcast_in_dim3A_209 = vector.broadcast %jit3A_208 : i32 to vector<16xi32>
      %select_n3A_210 = arith.select %lt3A_176, %add3A_207, %broadcast_in_dim3A_209 : vector<16xi1>, vector<16xi32>
      %swap3A_211 = arith.index_cast %scan3A_46 : i32 to index
      %swap3A_212 = arith.constant 32 : index
      %swap3A_213 = tpu.vector_load %arg8[%swap3A_211, %swap3A_212] {strides = array<i32>} : memref<8x128xi32, #tpu.memory_space<vmem>>, vector<16xi32>,
      tpu.vector_store %arg8[%swap3A_211, %swap3A_212], %select_n3A_201 {strides = array<i32>} : memref<8x128xi32, #tpu.memory_space<vmem>>, vector<16xi32>,
      %swap3A_214 = arith.index_cast %scan3A_46 : i32 to index
      %swap3A_215 = arith.constant 32 : index
      %swap3A_216 = tpu.vector_load %arg9[%swap3A_214, %swap3A_215] {strides = array<i32>} : memref<8x128xi32, #tpu.memory_space<vmem>>, vector<16xi32>,
      tpu.vector_store %arg9[%swap3A_214, %swap3A_215], %select_n3A_210 {strides = array<i32>} : memref<8x128xi32, #tpu.memory_space<vmem>>, vector<16xi32>,
      %mul3A_217 = arith.constant 8 : i32
      %mul3A_218 = arith.muli %scan3A_46, %mul3A_217 : i32
      %add3A_219 = arith.constant 3 : i32
      %add3A_220 = arith.addi %mul3A_218, %add3A_219 : i32
      %mul3A_221 = arith.constant 2 : i32
      %mul3A_222 = arith.muli %mul3A_221, %add3A_220 : i32
      %add3A_223 = arith.addi %mul3A_222, %arg0 : i32
      %mul3A_224 = arith.constant 16 : i32
      %mul3A_225 = arith.muli %add3A_223, %mul3A_224 : i32
      %add3A_226 = vector.broadcast %mul3A_225 : i32 to vector<16xi32>
      %add3A_227 = arith.addi %iota3A, %add3A_226 : vector<16xi32>
      %min3A_228 = arith.constant 1999 : i32
      %min3A_229 = vector.broadcast %min3A_228 : i32 to vector<16xi32>
      %min3A_230 = arith.minsi %add3A_227, %min3A_229 : vector<16xi32>
      %lt3A_231 = arith.constant 2000 : i32
      %lt3A_232 = vector.broadcast %lt3A_231 : i32 to vector<16xi32>
      %lt3A_233 = arith.cmpi slt, %add3A_227, %lt3A_232 : vector<16xi32>
      %mul3A_234 = arith.constant 6 : i32
      %mul3A_235 = vector.broadcast %mul3A_234 : i32 to vector<16xi32>
      %mul3A_236 = arith.muli %min3A_230, %mul3A_235 : vector<16xi32>
      %gather3A_237 = tpu.vector_load_idx %arg6[%mul3A_236] : memref<12000xi32, #tpu.memory_space<vmem>>[vector<16xi32>], vector<16xi32>,
      %add3A_238 = arith.constant 1 : i32
      %add3A_239 = vector.broadcast %add3A_238 : i32 to vector<16xi32>
      %add3A_240 = arith.addi %mul3A_236, %add3A_239 : vector<16xi32>
      %gather3A_241 = tpu.vector_load_idx %arg6[%add3A_240] : memref<12000xi32, #tpu.memory_space<vmem>>[vector<16xi32>], vector<16xi32>,
      %add3A_242 = arith.constant 2 : i32
      %add3A_243 = vector.broadcast %add3A_242 : i32 to vector<16xi32>
      %add3A_244 = arith.addi %mul3A_236, %add3A_243 : vector<16xi32>
      %gather3A_245 = tpu.vector_load_idx %arg6[%add3A_244] : memref<12000xi32, #tpu.memory_space<vmem>>[vector<16xi32>], vector<16xi32>,
      %add3A_246 = arith.constant 3 : i32
      %add3A_247 = vector.broadcast %add3A_246 : i32 to vector<16xi32>
      %add3A_248 = arith.addi %mul3A_236, %add3A_247 : vector<16xi32>
      %gather3A_249 = tpu.vector_load_idx %arg6[%add3A_248] : memref<12000xi32, #tpu.memory_space<vmem>>[vector<16xi32>], vector<16xi32>,
      %mul3A_250 = arith.constant 384 : i32
      %mul3A_251 = vector.broadcast %mul3A_250 : i32 to vector<16xi32>
      %mul3A_252 = arith.muli %gather3A_241, %mul3A_251 : vector<16xi32>
      %add3A_253 = vector.broadcast %mul3A_3 : i32 to vector<16xi32>
      %add3A_254 = arith.addi %add3A_253, %mul3A_252 : vector<16xi32>
      %add3A_255 = arith.addi %add3A_254, %gather3A_237 : vector<16xi32>
      %jit3A_256 = arith.constant 0 : i32
      %broadcast_in_dim3A_257 = vector.broadcast %jit3A_256 : i32 to vector<16xi32>
      %select_n3A_258 = arith.select %lt3A_233, %add3A_255, %broadcast_in_dim3A_257 : vector<16xi1>, vector<16xi32>
      %mul3A_259 = arith.constant 384 : i32
      %mul3A_260 = vector.broadcast %mul3A_259 : i32 to vector<16xi32>
      %mul3A_261 = arith.muli %gather3A_249, %mul3A_260 : vector<16xi32>
      %add3A_262 = vector.broadcast %mul3A_3 : i32 to vector<16xi32>
      %add3A_263 = arith.addi %add3A_262, %mul3A_261 : vector<16xi32>
      %add3A_264 = arith.addi %add3A_263, %gather3A_245 : vector<16xi32>
      %jit3A_265 = arith.constant 0 : i32
      %broadcast_in_dim3A_266 = vector.broadcast %jit3A_265 : i32 to vector<16xi32>
      %select_n3A_267 = arith.select %lt3A_233, %add3A_264, %broadcast_in_dim3A_266 : vector<16xi1>, vector<16xi32>
      %swap3A_268 = arith.index_cast %scan3A_46 : i32 to index
      %swap3A_269 = arith.constant 48 : index
      %swap3A_270 = tpu.vector_load %arg8[%swap3A_268, %swap3A_269] {strides = array<i32>} : memref<8x128xi32, #tpu.memory_space<vmem>>, vector<16xi32>,
      tpu.vector_store %arg8[%swap3A_268, %swap3A_269], %select_n3A_258 {strides = array<i32>} : memref<8x128xi32, #tpu.memory_space<vmem>>, vector<16xi32>,
      %swap3A_271 = arith.index_cast %scan3A_46 : i32 to index
      %swap3A_272 = arith.constant 48 : index
      %swap3A_273 = tpu.vector_load %arg9[%swap3A_271, %swap3A_272] {strides = array<i32>} : memref<8x128xi32, #tpu.memory_space<vmem>>, vector<16xi32>,
      tpu.vector_store %arg9[%swap3A_271, %swap3A_272], %select_n3A_267 {strides = array<i32>} : memref<8x128xi32, #tpu.memory_space<vmem>>, vector<16xi32>,
      %mul3A_274 = arith.constant 8 : i32
      %mul3A_275 = arith.muli %scan3A_46, %mul3A_274 : i32
      %add3A_276 = arith.constant 4 : i32
      %add3A_277 = arith.addi %mul3A_275, %add3A_276 : i32
      %mul3A_278 = arith.constant 2 : i32
      %mul3A_279 = arith.muli %mul3A_278, %add3A_277 : i32
      %add3A_280 = arith.addi %mul3A_279, %arg0 : i32
      %mul3A_281 = arith.constant 16 : i32
      %mul3A_282 = arith.muli %add3A_280, %mul3A_281 : i32
      %add3A_283 = vector.broadcast %mul3A_282 : i32 to vector<16xi32>
      %add3A_284 = arith.addi %iota3A, %add3A_283 : vector<16xi32>
      %min3A_285 = arith.constant 1999 : i32
      %min3A_286 = vector.broadcast %min3A_285 : i32 to vector<16xi32>
      %min3A_287 = arith.minsi %add3A_284, %min3A_286 : vector<16xi32>
      %lt3A_288 = arith.constant 2000 : i32
      %lt3A_289 = vector.broadcast %lt3A_288 : i32 to vector<16xi32>
      %lt3A_290 = arith.cmpi slt, %add3A_284, %lt3A_289 : vector<16xi32>
      %mul3A_291 = arith.constant 6 : i32
      %mul3A_292 = vector.broadcast %mul3A_291 : i32 to vector<16xi32>
      %mul3A_293 = arith.muli %min3A_287, %mul3A_292 : vector<16xi32>
      %gather3A_294 = tpu.vector_load_idx %arg6[%mul3A_293] : memref<12000xi32, #tpu.memory_space<vmem>>[vector<16xi32>], vector<16xi32>,
      %add3A_295 = arith.constant 1 : i32
      %add3A_296 = vector.broadcast %add3A_295 : i32 to vector<16xi32>
      %add3A_297 = arith.addi %mul3A_293, %add3A_296 : vector<16xi32>
      %gather3A_298 = tpu.vector_load_idx %arg6[%add3A_297] : memref<12000xi32, #tpu.memory_space<vmem>>[vector<16xi32>], vector<16xi32>,
      %add3A_299 = arith.constant 2 : i32
      %add3A_300 = vector.broadcast %add3A_299 : i32 to vector<16xi32>
      %add3A_301 = arith.addi %mul3A_293, %add3A_300 : vector<16xi32>
      %gather3A_302 = tpu.vector_load_idx %arg6[%add3A_301] : memref<12000xi32, #tpu.memory_space<vmem>>[vector<16xi32>], vector<16xi32>,
      %add3A_303 = arith.constant 3 : i32
      %add3A_304 = vector.broadcast %add3A_303 : i32 to vector<16xi32>
      %add3A_305 = arith.addi %mul3A_293, %add3A_304 : vector<16xi32>
      %gather3A_306 = tpu.vector_load_idx %arg6[%add3A_305] : memref<12000xi32, #tpu.memory_space<vmem>>[vector<16xi32>], vector<16xi32>,
      %mul3A_307 = arith.constant 384 : i32
      %mul3A_308 = vector.broadcast %mul3A_307 : i32 to vector<16xi32>
      %mul3A_309 = arith.muli %gather3A_298, %mul3A_308 : vector<16xi32>
      %add3A_310 = vector.broadcast %mul3A_3 : i32 to vector<16xi32>
      %add3A_311 = arith.addi %add3A_310, %mul3A_309 : vector<16xi32>
      %add3A_312 = arith.addi %add3A_311, %gather3A_294 : vector<16xi32>
      %jit3A_313 = arith.constant 0 : i32
      %broadcast_in_dim3A_314 = vector.broadcast %jit3A_313 : i32 to vector<16xi32>
      %select_n3A_315 = arith.select %lt3A_290, %add3A_312, %broadcast_in_dim3A_314 : vector<16xi1>, vector<16xi32>
      %mul3A_316 = arith.constant 384 : i32
      %mul3A_317 = vector.broadcast %mul3A_316 : i32 to vector<16xi32>
      %mul3A_318 = arith.muli %gather3A_306, %mul3A_317 : vector<16xi32>
      %add3A_319 = vector.broadcast %mul3A_3 : i32 to vector<16xi32>
      %add3A_320 = arith.addi %add3A_319, %mul3A_318 : vector<16xi32>
      %add3A_321 = arith.addi %add3A_320, %gather3A_302 : vector<16xi32>
      %jit3A_322 = arith.constant 0 : i32
      %broadcast_in_dim3A_323 = vector.broadcast %jit3A_322 : i32 to vector<16xi32>
      %select_n3A_324 = arith.select %lt3A_290, %add3A_321, %broadcast_in_dim3A_323 : vector<16xi1>, vector<16xi32>
      %swap3A_325 = arith.index_cast %scan3A_46 : i32 to index
      %swap3A_326 = arith.constant 64 : index
      %swap3A_327 = tpu.vector_load %arg8[%swap3A_325, %swap3A_326] {strides = array<i32>} : memref<8x128xi32, #tpu.memory_space<vmem>>, vector<16xi32>,
      tpu.vector_store %arg8[%swap3A_325, %swap3A_326], %select_n3A_315 {strides = array<i32>} : memref<8x128xi32, #tpu.memory_space<vmem>>, vector<16xi32>,
      %swap3A_328 = arith.index_cast %scan3A_46 : i32 to index
      %swap3A_329 = arith.constant 64 : index
      %swap3A_330 = tpu.vector_load %arg9[%swap3A_328, %swap3A_329] {strides = array<i32>} : memref<8x128xi32, #tpu.memory_space<vmem>>, vector<16xi32>,
      tpu.vector_store %arg9[%swap3A_328, %swap3A_329], %select_n3A_324 {strides = array<i32>} : memref<8x128xi32, #tpu.memory_space<vmem>>, vector<16xi32>,
      %mul3A_331 = arith.constant 8 : i32
      %mul3A_332 = arith.muli %scan3A_46, %mul3A_331 : i32
      %add3A_333 = arith.constant 5 : i32
      %add3A_334 = arith.addi %mul3A_332, %add3A_333 : i32
      %mul3A_335 = arith.constant 2 : i32
      %mul3A_336 = arith.muli %mul3A_335, %add3A_334 : i32
      %add3A_337 = arith.addi %mul3A_336, %arg0 : i32
      %mul3A_338 = arith.constant 16 : i32
      %mul3A_339 = arith.muli %add3A_337, %mul3A_338 : i32
      %add3A_340 = vector.broadcast %mul3A_339 : i32 to vector<16xi32>
      %add3A_341 = arith.addi %iota3A, %add3A_340 : vector<16xi32>
      %min3A_342 = arith.constant 1999 : i32
      %min3A_343 = vector.broadcast %min3A_342 : i32 to vector<16xi32>
      %min3A_344 = arith.minsi %add3A_341, %min3A_343 : vector<16xi32>
      %lt3A_345 = arith.constant 2000 : i32
      %lt3A_346 = vector.broadcast %lt3A_345 : i32 to vector<16xi32>
      %lt3A_347 = arith.cmpi slt, %add3A_341, %lt3A_346 : vector<16xi32>
      %mul3A_348 = arith.constant 6 : i32
      %mul3A_349 = vector.broadcast %mul3A_348 : i32 to vector<16xi32>
      %mul3A_350 = arith.muli %min3A_344, %mul3A_349 : vector<16xi32>
      %gather3A_351 = tpu.vector_load_idx %arg6[%mul3A_350] : memref<12000xi32, #tpu.memory_space<vmem>>[vector<16xi32>], vector<16xi32>,
      %add3A_352 = arith.constant 1 : i32
      %add3A_353 = vector.broadcast %add3A_352 : i32 to vector<16xi32>
      %add3A_354 = arith.addi %mul3A_350, %add3A_353 : vector<16xi32>
      %gather3A_355 = tpu.vector_load_idx %arg6[%add3A_354] : memref<12000xi32, #tpu.memory_space<vmem>>[vector<16xi32>], vector<16xi32>,
      %add3A_356 = arith.constant 2 : i32
      %add3A_357 = vector.broadcast %add3A_356 : i32 to vector<16xi32>
      %add3A_358 = arith.addi %mul3A_350, %add3A_357 : vector<16xi32>
      %gather3A_359 = tpu.vector_load_idx %arg6[%add3A_358] : memref<12000xi32, #tpu.memory_space<vmem>>[vector<16xi32>], vector<16xi32>,
      %add3A_360 = arith.constant 3 : i32
      %add3A_361 = vector.broadcast %add3A_360 : i32 to vector<16xi32>
      %add3A_362 = arith.addi %mul3A_350, %add3A_361 : vector<16xi32>
      %gather3A_363 = tpu.vector_load_idx %arg6[%add3A_362] : memref<12000xi32, #tpu.memory_space<vmem>>[vector<16xi32>], vector<16xi32>,
      %mul3A_364 = arith.constant 384 : i32
      %mul3A_365 = vector.broadcast %mul3A_364 : i32 to vector<16xi32>
      %mul3A_366 = arith.muli %gather3A_355, %mul3A_365 : vector<16xi32>
      %add3A_367 = vector.broadcast %mul3A_3 : i32 to vector<16xi32>
      %add3A_368 = arith.addi %add3A_367, %mul3A_366 : vector<16xi32>
      %add3A_369 = arith.addi %add3A_368, %gather3A_351 : vector<16xi32>
      %jit3A_370 = arith.constant 0 : i32
      %broadcast_in_dim3A_371 = vector.broadcast %jit3A_370 : i32 to vector<16xi32>
      %select_n3A_372 = arith.select %lt3A_347, %add3A_369, %broadcast_in_dim3A_371 : vector<16xi1>, vector<16xi32>
      %mul3A_373 = arith.constant 384 : i32
      %mul3A_374 = vector.broadcast %mul3A_373 : i32 to vector<16xi32>
      %mul3A_375 = arith.muli %gather3A_363, %mul3A_374 : vector<16xi32>
      %add3A_376 = vector.broadcast %mul3A_3 : i32 to vector<16xi32>
      %add3A_377 = arith.addi %add3A_376, %mul3A_375 : vector<16xi32>
      %add3A_378 = arith.addi %add3A_377, %gather3A_359 : vector<16xi32>
      %jit3A_379 = arith.constant 0 : i32
      %broadcast_in_dim3A_380 = vector.broadcast %jit3A_379 : i32 to vector<16xi32>
      %select_n3A_381 = arith.select %lt3A_347, %add3A_378, %broadcast_in_dim3A_380 : vector<16xi1>, vector<16xi32>
      %swap3A_382 = arith.index_cast %scan3A_46 : i32 to index
      %swap3A_383 = arith.constant 80 : index
      %swap3A_384 = tpu.vector_load %arg8[%swap3A_382, %swap3A_383] {strides = array<i32>} : memref<8x128xi32, #tpu.memory_space<vmem>>, vector<16xi32>,
      tpu.vector_store %arg8[%swap3A_382, %swap3A_383], %select_n3A_372 {strides = array<i32>} : memref<8x128xi32, #tpu.memory_space<vmem>>, vector<16xi32>,
      %swap3A_385 = arith.index_cast %scan3A_46 : i32 to index
      %swap3A_386 = arith.constant 80 : index
      %swap3A_387 = tpu.vector_load %arg9[%swap3A_385, %swap3A_386] {strides = array<i32>} : memref<8x128xi32, #tpu.memory_space<vmem>>, vector<16xi32>,
      tpu.vector_store %arg9[%swap3A_385, %swap3A_386], %select_n3A_381 {strides = array<i32>} : memref<8x128xi32, #tpu.memory_space<vmem>>, vector<16xi32>,
      %mul3A_388 = arith.constant 8 : i32
      %mul3A_389 = arith.muli %scan3A_46, %mul3A_388 : i32
      %add3A_390 = arith.constant 6 : i32
      %add3A_391 = arith.addi %mul3A_389, %add3A_390 : i32
      %mul3A_392 = arith.constant 2 : i32
      %mul3A_393 = arith.muli %mul3A_392, %add3A_391 : i32
      %add3A_394 = arith.addi %mul3A_393, %arg0 : i32
      %mul3A_395 = arith.constant 16 : i32
      %mul3A_396 = arith.muli %add3A_394, %mul3A_395 : i32
      %add3A_397 = vector.broadcast %mul3A_396 : i32 to vector<16xi32>
      %add3A_398 = arith.addi %iota3A, %add3A_397 : vector<16xi32>
      %min3A_399 = arith.constant 1999 : i32
      %min3A_400 = vector.broadcast %min3A_399 : i32 to vector<16xi32>
      %min3A_401 = arith.minsi %add3A_398, %min3A_400 : vector<16xi32>
      %lt3A_402 = arith.constant 2000 : i32
      %lt3A_403 = vector.broadcast %lt3A_402 : i32 to vector<16xi32>
      %lt3A_404 = arith.cmpi slt, %add3A_398, %lt3A_403 : vector<16xi32>
      %mul3A_405 = arith.constant 6 : i32
      %mul3A_406 = vector.broadcast %mul3A_405 : i32 to vector<16xi32>
      %mul3A_407 = arith.muli %min3A_401, %mul3A_406 : vector<16xi32>
      %gather3A_408 = tpu.vector_load_idx %arg6[%mul3A_407] : memref<12000xi32, #tpu.memory_space<vmem>>[vector<16xi32>], vector<16xi32>,
      %add3A_409 = arith.constant 1 : i32
      %add3A_410 = vector.broadcast %add3A_409 : i32 to vector<16xi32>
      %add3A_411 = arith.addi %mul3A_407, %add3A_410 : vector<16xi32>
      %gather3A_412 = tpu.vector_load_idx %arg6[%add3A_411] : memref<12000xi32, #tpu.memory_space<vmem>>[vector<16xi32>], vector<16xi32>,
      %add3A_413 = arith.constant 2 : i32
      %add3A_414 = vector.broadcast %add3A_413 : i32 to vector<16xi32>
      %add3A_415 = arith.addi %mul3A_407, %add3A_414 : vector<16xi32>
      %gather3A_416 = tpu.vector_load_idx %arg6[%add3A_415] : memref<12000xi32, #tpu.memory_space<vmem>>[vector<16xi32>], vector<16xi32>,
      %add3A_417 = arith.constant 3 : i32
      %add3A_418 = vector.broadcast %add3A_417 : i32 to vector<16xi32>
      %add3A_419 = arith.addi %mul3A_407, %add3A_418 : vector<16xi32>
      %gather3A_420 = tpu.vector_load_idx %arg6[%add3A_419] : memref<12000xi32, #tpu.memory_space<vmem>>[vector<16xi32>], vector<16xi32>,
      %mul3A_421 = arith.constant 384 : i32
      %mul3A_422 = vector.broadcast %mul3A_421 : i32 to vector<16xi32>
      %mul3A_423 = arith.muli %gather3A_412, %mul3A_422 : vector<16xi32>
      %add3A_424 = vector.broadcast %mul3A_3 : i32 to vector<16xi32>
      %add3A_425 = arith.addi %add3A_424, %mul3A_423 : vector<16xi32>
      %add3A_426 = arith.addi %add3A_425, %gather3A_408 : vector<16xi32>
      %jit3A_427 = arith.constant 0 : i32
      %broadcast_in_dim3A_428 = vector.broadcast %jit3A_427 : i32 to vector<16xi32>
      %select_n3A_429 = arith.select %lt3A_404, %add3A_426, %broadcast_in_dim3A_428 : vector<16xi1>, vector<16xi32>
      %mul3A_430 = arith.constant 384 : i32
      %mul3A_431 = vector.broadcast %mul3A_430 : i32 to vector<16xi32>
      %mul3A_432 = arith.muli %gather3A_420, %mul3A_431 : vector<16xi32>
      %add3A_433 = vector.broadcast %mul3A_3 : i32 to vector<16xi32>
      %add3A_434 = arith.addi %add3A_433, %mul3A_432 : vector<16xi32>
      %add3A_435 = arith.addi %add3A_434, %gather3A_416 : vector<16xi32>
      %jit3A_436 = arith.constant 0 : i32
      %broadcast_in_dim3A_437 = vector.broadcast %jit3A_436 : i32 to vector<16xi32>
      %select_n3A_438 = arith.select %lt3A_404, %add3A_435, %broadcast_in_dim3A_437 : vector<16xi1>, vector<16xi32>
      %swap3A_439 = arith.index_cast %scan3A_46 : i32 to index
      %swap3A_440 = arith.constant 96 : index
      %swap3A_441 = tpu.vector_load %arg8[%swap3A_439, %swap3A_440] {strides = array<i32>} : memref<8x128xi32, #tpu.memory_space<vmem>>, vector<16xi32>,
      tpu.vector_store %arg8[%swap3A_439, %swap3A_440], %select_n3A_429 {strides = array<i32>} : memref<8x128xi32, #tpu.memory_space<vmem>>, vector<16xi32>,
      %swap3A_442 = arith.index_cast %scan3A_46 : i32 to index
      %swap3A_443 = arith.constant 96 : index
      %swap3A_444 = tpu.vector_load %arg9[%swap3A_442, %swap3A_443] {strides = array<i32>} : memref<8x128xi32, #tpu.memory_space<vmem>>, vector<16xi32>,
      tpu.vector_store %arg9[%swap3A_442, %swap3A_443], %select_n3A_438 {strides = array<i32>} : memref<8x128xi32, #tpu.memory_space<vmem>>, vector<16xi32>,
      %mul3A_445 = arith.constant 8 : i32
      %mul3A_446 = arith.muli %scan3A_46, %mul3A_445 : i32
      %add3A_447 = arith.constant 7 : i32
      %add3A_448 = arith.addi %mul3A_446, %add3A_447 : i32
      %mul3A_449 = arith.constant 2 : i32
      %mul3A_450 = arith.muli %mul3A_449, %add3A_448 : i32
      %add3A_451 = arith.addi %mul3A_450, %arg0 : i32
      %mul3A_452 = arith.constant 16 : i32
      %mul3A_453 = arith.muli %add3A_451, %mul3A_452 : i32
      %add3A_454 = vector.broadcast %mul3A_453 : i32 to vector<16xi32>
      %add3A_455 = arith.addi %iota3A, %add3A_454 : vector<16xi32>
      %min3A_456 = arith.constant 1999 : i32
      %min3A_457 = vector.broadcast %min3A_456 : i32 to vector<16xi32>
      %min3A_458 = arith.minsi %add3A_455, %min3A_457 : vector<16xi32>
      %lt3A_459 = arith.constant 2000 : i32
      %lt3A_460 = vector.broadcast %lt3A_459 : i32 to vector<16xi32>
      %lt3A_461 = arith.cmpi slt, %add3A_455, %lt3A_460 : vector<16xi32>
      %mul3A_462 = arith.constant 6 : i32
      %mul3A_463 = vector.broadcast %mul3A_462 : i32 to vector<16xi32>
      %mul3A_464 = arith.muli %min3A_458, %mul3A_463 : vector<16xi32>
      %gather3A_465 = tpu.vector_load_idx %arg6[%mul3A_464] : memref<12000xi32, #tpu.memory_space<vmem>>[vector<16xi32>], vector<16xi32>,
      %add3A_466 = arith.constant 1 : i32
      %add3A_467 = vector.broadcast %add3A_466 : i32 to vector<16xi32>
      %add3A_468 = arith.addi %mul3A_464, %add3A_467 : vector<16xi32>
      %gather3A_469 = tpu.vector_load_idx %arg6[%add3A_468] : memref<12000xi32, #tpu.memory_space<vmem>>[vector<16xi32>], vector<16xi32>,
      %add3A_470 = arith.constant 2 : i32
      %add3A_471 = vector.broadcast %add3A_470 : i32 to vector<16xi32>
      %add3A_472 = arith.addi %mul3A_464, %add3A_471 : vector<16xi32>
      %gather3A_473 = tpu.vector_load_idx %arg6[%add3A_472] : memref<12000xi32, #tpu.memory_space<vmem>>[vector<16xi32>], vector<16xi32>,
      %add3A_474 = arith.constant 3 : i32
      %add3A_475 = vector.broadcast %add3A_474 : i32 to vector<16xi32>
      %add3A_476 = arith.addi %mul3A_464, %add3A_475 : vector<16xi32>
      %gather3A_477 = tpu.vector_load_idx %arg6[%add3A_476] : memref<12000xi32, #tpu.memory_space<vmem>>[vector<16xi32>], vector<16xi32>,
      %mul3A_478 = arith.constant 384 : i32
      %mul3A_479 = vector.broadcast %mul3A_478 : i32 to vector<16xi32>
      %mul3A_480 = arith.muli %gather3A_469, %mul3A_479 : vector<16xi32>
      %add3A_481 = vector.broadcast %mul3A_3 : i32 to vector<16xi32>
      %add3A_482 = arith.addi %add3A_481, %mul3A_480 : vector<16xi32>
      %add3A_483 = arith.addi %add3A_482, %gather3A_465 : vector<16xi32>
      %jit3A_484 = arith.constant 0 : i32
      %broadcast_in_dim3A_485 = vector.broadcast %jit3A_484 : i32 to vector<16xi32>
      %select_n3A_486 = arith.select %lt3A_461, %add3A_483, %broadcast_in_dim3A_485 : vector<16xi1>, vector<16xi32>
      %mul3A_487 = arith.constant 384 : i32
      %mul3A_488 = vector.broadcast %mul3A_487 : i32 to vector<16xi32>
      %mul3A_489 = arith.muli %gather3A_477, %mul3A_488 : vector<16xi32>
      %add3A_490 = vector.broadcast %mul3A_3 : i32 to vector<16xi32>
      %add3A_491 = arith.addi %add3A_490, %mul3A_489 : vector<16xi32>
      %add3A_492 = arith.addi %add3A_491, %gather3A_473 : vector<16xi32>
      %jit3A_493 = arith.constant 0 : i32
      %broadcast_in_dim3A_494 = vector.broadcast %jit3A_493 : i32 to vector<16xi32>
      %select_n3A_495 = arith.select %lt3A_461, %add3A_492, %broadcast_in_dim3A_494 : vector<16xi1>, vector<16xi32>
      %swap3A_496 = arith.index_cast %scan3A_46 : i32 to index
      %swap3A_497 = arith.constant 112 : index
      %swap3A_498 = tpu.vector_load %arg8[%swap3A_496, %swap3A_497] {strides = array<i32>} : memref<8x128xi32, #tpu.memory_space<vmem>>, vector<16xi32>,
      tpu.vector_store %arg8[%swap3A_496, %swap3A_497], %select_n3A_486 {strides = array<i32>} : memref<8x128xi32, #tpu.memory_space<vmem>>, vector<16xi32>,
      %swap3A_499 = arith.index_cast %scan3A_46 : i32 to index
      %swap3A_500 = arith.constant 112 : index
      %swap3A_501 = tpu.vector_load %arg9[%swap3A_499, %swap3A_500] {strides = array<i32>} : memref<8x128xi32, #tpu.memory_space<vmem>>, vector<16xi32>,
      tpu.vector_store %arg9[%swap3A_499, %swap3A_500], %select_n3A_495 {strides = array<i32>} : memref<8x128xi32, #tpu.memory_space<vmem>>, vector<16xi32>,
      %mul3A_502 = arith.constant 128 : i32
      %mul3A_503 = arith.muli %scan3A_46, %mul3A_502 : i32
      %dma_start3A = tpu.memref_slice %arg10[%mul3A_503] : memref<1024xf32, #tpu.memory_space<vmem>> -> memref<128xf32, #tpu.memory_space<vmem>>
      %dma_start3A_504 = arith.constant 0 : i32
      %dma_start3A_505 = tpu.memref_slice %arg8[%scan3A_46, %dma_start3A_504] : memref<8x128xi32, #tpu.memory_space<vmem>> -> memref<1x128xi32, #tpu.memory_space<vmem>>
      %dma_start3A_506 = tpu.memref_squeeze %dma_start3A_505 : memref<1x128xi32, #tpu.memory_space<vmem>> -> memref<128xi32, #tpu.memory_space<vmem>>
      %dma_start3A_507 = arith.constant 0 : i32
      %dma_start3A_508 = tpu.memref_slice %arg2[%dma_start3A_507] : memref<2359296xf32, #tpu.memory_space<hbm>> -> memref<2359296xf32, #tpu.memory_space<hbm>>
      tpu.enqueue_indirect_dma source(%dma_start3A_508 : memref<2359296xf32, #tpu.memory_space<hbm>>) target(%dma_start3A : memref<128xf32, #tpu.memory_space<vmem>>) offsets(%dma_start3A_506 : memref<128xi32, #tpu.memory_space<vmem>>) semaphore(%arg13 : memref<!tpu.dma_semaphore, #tpu.memory_space<semaphore_mem>>)
      %mul3A_509 = arith.constant 128 : i32
      %mul3A_510 = arith.muli %scan3A_46, %mul3A_509 : i32
      %dma_start3A_511 = tpu.memref_slice %arg11[%mul3A_510] : memref<1024xf32, #tpu.memory_space<vmem>> -> memref<128xf32, #tpu.memory_space<vmem>>
      %dma_start3A_512 = arith.constant 0 : i32
      %dma_start3A_513 = tpu.memref_slice %arg9[%scan3A_46, %dma_start3A_512] : memref<8x128xi32, #tpu.memory_space<vmem>> -> memref<1x128xi32, #tpu.memory_space<vmem>>
      %dma_start3A_514 = tpu.memref_squeeze %dma_start3A_513 : memref<1x128xi32, #tpu.memory_space<vmem>> -> memref<128xi32, #tpu.memory_space<vmem>>
      %dma_start3A_515 = arith.constant 0 : i32
      %dma_start3A_516 = tpu.memref_slice %arg2[%dma_start3A_515] : memref<2359296xf32, #tpu.memory_space<hbm>> -> memref<2359296xf32, #tpu.memory_space<hbm>>
      tpu.enqueue_indirect_dma source(%dma_start3A_516 : memref<2359296xf32, #tpu.memory_space<hbm>>) target(%dma_start3A_511 : memref<128xf32, #tpu.memory_space<vmem>>) offsets(%dma_start3A_514 : memref<128xi32, #tpu.memory_space<vmem>>) semaphore(%arg13 : memref<!tpu.dma_semaphore, #tpu.memory_space<semaphore_mem>>)
      %scan3A_517 = arith.constant 0 : i32
      scf.yield %scan3A_517 : i32
    }
    %scan3A_9 = arith.constant 8 : i32
    %scan3A_10 = arith.constant 0 : i32
    %scan3A_11 = arith.constant 0 : i32
    %scan3A_12 = arith.constant 8 : i32
    %scan3A_13 = arith.addi %scan3A_11, %scan3A_12 : i32
    %scan3A_14 = arith.constant 1 : i32
    %scan3A_15 = scf.for %scan3A_46 = %scan3A_11 to %scan3A_13 step %scan3A_14 iter_args(%scan3A_47 = %scan3A_10) -> (i32)  : i32 {
      %dma_wait3A = arith.constant 0 : i32
      %dma_wait3A_48 = arith.constant 0 : i32
      %dma_wait3A_49 = tpu.memref_slice %arg10[%dma_wait3A_48] : memref<1024xf32, #tpu.memory_space<vmem>> -> memref<128xf32, #tpu.memory_space<vmem>>
      %dma_wait3A_50 = arith.constant 0 : i32
      %dma_wait3A_51 = tpu.memref_slice %arg8[%dma_wait3A, %dma_wait3A_50] : memref<8x128xi32, #tpu.memory_space<vmem>> -> memref<1x128xi32, #tpu.memory_space<vmem>>
      %dma_wait3A_52 = tpu.memref_squeeze %dma_wait3A_51 : memref<1x128xi32, #tpu.memory_space<vmem>> -> memref<128xi32, #tpu.memory_space<vmem>>
      %dma_wait3A_53 = arith.constant 0 : i32
      %dma_wait3A_54 = tpu.memref_slice %arg2[%dma_wait3A_53] : memref<2359296xf32, #tpu.memory_space<hbm>> -> memref<2359296xf32, #tpu.memory_space<hbm>>
      tpu.wait_indirect_dma semaphore(%arg13 : memref<!tpu.dma_semaphore, #tpu.memory_space<semaphore_mem>>) src(%dma_wait3A_54 : memref<2359296xf32, #tpu.memory_space<hbm>>) dst(%dma_wait3A_49 : memref<128xf32, #tpu.memory_space<vmem>>)
      %dma_wait3A_55 = arith.constant 0 : i32
      %dma_wait3A_56 = arith.constant 0 : i32
      %dma_wait3A_57 = tpu.memref_slice %arg11[%dma_wait3A_56] : memref<1024xf32, #tpu.memory_space<vmem>> -> memref<128xf32, #tpu.memory_space<vmem>>
      %dma_wait3A_58 = arith.constant 0 : i32
      %dma_wait3A_59 = tpu.memref_slice %arg9[%dma_wait3A_55, %dma_wait3A_58] : memref<8x128xi32, #tpu.memory_space<vmem>> -> memref<1x128xi32, #tpu.memory_space<vmem>>
      %dma_wait3A_60 = tpu.memref_squeeze %dma_wait3A_59 : memref<1x128xi32, #tpu.memory_space<vmem>> -> memref<128xi32, #tpu.memory_space<vmem>>
      %dma_wait3A_61 = arith.constant 0 : i32
      %dma_wait3A_62 = tpu.memref_slice %arg2[%dma_wait3A_61] : memref<2359296xf32, #tpu.memory_space<hbm>> -> memref<2359296xf32, #tpu.memory_space<hbm>>
      tpu.wait_indirect_dma semaphore(%arg13 : memref<!tpu.dma_semaphore, #tpu.memory_space<semaphore_mem>>) src(%dma_wait3A_62 : memref<2359296xf32, #tpu.memory_space<hbm>>) dst(%dma_wait3A_57 : memref<128xf32, #tpu.memory_space<vmem>>)
      %scan3A_63 = arith.constant 0 : i32
      scf.yield %scan3A_63 : i32
    }
    %scan3A_16 = arith.constant 8 : i32
    %add3A = vector.broadcast %arg1 : i32 to vector<16xi32>
    %add3A_17 = arith.addi %broadcast_in_dim3A_0, %add3A : vector<16xi32>
    %gather3A = tpu.vector_load_idx %arg7[%add3A_17] : memref<16xi32, #tpu.memory_space<vmem>>[vector<16xi32>], vector<16xi32>,
    %broadcast_in_dim3A_18 = arith.constant 0.000000e+00 : f32
    %broadcast_in_dim3A_19 = vector.broadcast %broadcast_in_dim3A_18 : f32 to vector<16xf32>
    %scan3A_20 = arith.constant 0 : i32
    %scan3A_21 = arith.constant 63 : i32
    %scan3A_22 = arith.addi %scan3A_20, %scan3A_21 : i32
    %scan3A_23 = arith.constant 1 : i32
    %scan3A_24:2 = scf.for %scan3A_46 = %scan3A_20 to %scan3A_22 step %scan3A_23 iter_args(%scan3A_47 = %broadcast_in_dim3A_19, %scan3A_48 = %broadcast_in_dim3A_19) -> (vector<16xf32>, vector<16xf32>)  : i32 {
      %mul3A_49 = arith.constant 2 : i32
      %mul3A_50 = arith.muli %mul3A_49, %scan3A_46 : i32
      %add3A_51 = arith.addi %mul3A_50, %arg0 : i32
      %mul3A_52 = arith.constant 16 : i32
      %mul3A_53 = arith.muli %add3A_51, %mul3A_52 : i32
      %add3A_54 = vector.broadcast %mul3A_53 : i32 to vector<16xi32>
      %add3A_55 = arith.addi %iota3A, %add3A_54 : vector<16xi32>
      %min3A = arith.constant 1999 : i32
      %min3A_56 = vector.broadcast %min3A : i32 to vector<16xi32>
      %min3A_57 = arith.minsi %add3A_55, %min3A_56 : vector<16xi32>
      %mul3A_58 = arith.constant 16 : i32
      %mul3A_59 = arith.muli %scan3A_46, %mul3A_58 : i32
      %get3A = arith.index_cast %mul3A_59 : i32 to index
      %get3A_60 = tpu.vector_load %arg10[%get3A] {strides = array<i32>} : memref<1024xf32, #tpu.memory_space<vmem>>, vector<16xf32>,
      %mul3A_61 = arith.constant 16 : i32
      %mul3A_62 = arith.muli %scan3A_46, %mul3A_61 : i32
      %get3A_63 = arith.index_cast %mul3A_62 : i32 to index
      %get3A_64 = tpu.vector_load %arg11[%get3A_63] {strides = array<i32>} : memref<1024xf32, #tpu.memory_space<vmem>>, vector<16xf32>,
      %mul3A_65 = arith.constant 6 : i32
      %mul3A_66 = vector.broadcast %mul3A_65 : i32 to vector<16xi32>
      %mul3A_67 = arith.muli %min3A_57, %mul3A_66 : vector<16xi32>
      %add3A_68 = arith.constant 4 : i32
      %add3A_69 = vector.broadcast %add3A_68 : i32 to vector<16xi32>
      %add3A_70 = arith.addi %mul3A_67, %add3A_69 : vector<16xi32>
      %gather3A_71 = tpu.vector_load_idx %arg6[%add3A_70] : memref<12000xi32, #tpu.memory_space<vmem>>[vector<16xi32>], vector<16xi32>,
      %add3A_72 = arith.constant 5 : i32
      %add3A_73 = vector.broadcast %add3A_72 : i32 to vector<16xi32>
      %add3A_74 = arith.addi %mul3A_67, %add3A_73 : vector<16xi32>
      %gather3A_75 = tpu.vector_load_idx %arg6[%add3A_74] : memref<12000xi32, #tpu.memory_space<vmem>>[vector<16xi32>], vector<16xi32>,
      %convert_element_type3A = arith.sitofp %gather3A_75 : vector<16xi32> to vector<16xf32>
      %add3A_76 = arith.constant 1.000000e-10 : f32
      %add3A_77 = vector.broadcast %add3A_76 : f32 to vector<16xf32>
      %add3A_78 = arith.addf %get3A_60, %add3A_77 : vector<16xf32>
      %div3A = arith.divf %get3A_64, %add3A_78 : vector<16xf32>
      %gt3A = arith.constant 1.100000e+00 : f32
      %gt3A_79 = vector.broadcast %gt3A : f32 to vector<16xf32>
      %gt3A_80 = arith.cmpf ogt, %div3A, %gt3A_79 : vector<16xf32>
      %add3A_81 = arith.constant 1.000000e-10 : f32
      %add3A_82 = vector.broadcast %add3A_81 : f32 to vector<16xf32>
      %add3A_83 = arith.addf %get3A_64, %add3A_82 : vector<16xf32>
      %div3A_84 = arith.divf %get3A_60, %add3A_83 : vector<16xf32>
      %gt3A_85 = arith.constant 1.100000e+00 : f32
      %gt3A_86 = vector.broadcast %gt3A_85 : f32 to vector<16xf32>
      %gt3A_87 = arith.cmpf ogt, %div3A_84, %gt3A_86 : vector<16xf32>
      %jit3A_88 = arith.constant 2 : i32
      %jit3A_89 = arith.constant 0 : i32
      %broadcast_in_dim3A_90 = vector.broadcast %jit3A_88 : i32 to vector<16xi32>
      %broadcast_in_dim3A_91 = vector.broadcast %jit3A_89 : i32 to vector<16xi32>
      %select_n3A_92 = arith.select %gt3A_87, %broadcast_in_dim3A_90, %broadcast_in_dim3A_91 : vector<16xi1>, vector<16xi32>
      %jit3A_93 = arith.constant 1 : i32
      %broadcast_in_dim3A_94 = vector.broadcast %jit3A_93 : i32 to vector<16xi32>
      %select_n3A_95 = arith.select %gt3A_80, %broadcast_in_dim3A_94, %select_n3A_92 : vector<16xi1>, vector<16xi32>
      %lt3A = arith.cmpi slt, %add3A_55, %gather3A : vector<16xi32>
      %ne3A = arith.cmpi ne, %select_n3A_95, %gather3A_71 : vector<16xi32>
      %and3A = arith.andi %ne3A, %lt3A : vector<16xi1>
      %jit3A_96 = arith.constant 0.000000e+00 : f32
      %broadcast_in_dim3A_97 = vector.broadcast %jit3A_96 : f32 to vector<16xf32>
      %select_n3A_98 = arith.select %and3A, %convert_element_type3A, %broadcast_in_dim3A_97 : vector<16xi1>, vector<16xf32>
      %add3A_99 = arith.addf %scan3A_47, %select_n3A_98 : vector<16xf32>
      %jit3A_100 = arith.constant 0.000000e+00 : f32
      %broadcast_in_dim3A_101 = vector.broadcast %jit3A_100 : f32 to vector<16xf32>
      %select_n3A_102 = arith.select %lt3A, %convert_element_type3A, %broadcast_in_dim3A_101 : vector<16xi1>, vector<16xf32>
      %add3A_103 = arith.addf %scan3A_48, %select_n3A_102 : vector<16xf32>
      scf.yield %add3A_99, %add3A_103 : vector<16xf32>, vector<16xf32>
    }
    %scan3A_25 = arith.constant 63 : i32
    %eq3A = arith.constant 0 : i32
    %eq3A_26 = vector.broadcast %eq3A : i32 to vector<16xi32>
    %eq3A_27 = arith.cmpi eq, %iota3A, %eq3A_26 : vector<16xi32>
    %reduce_sum3A = arith.constant true
    %reduce_sum3A_28 = vector.broadcast %reduce_sum3A : i1 to vector<16xi1>
    %reduce_sum3A_29 = tpu.scan <sum>, %scan3A_24#0 masked %reduce_sum3A_28 : vector<16xf32>, vector<16xi1> -> vector<16xf32>
    %reduce_sum3A_30 = vector.extract %reduce_sum3A_29[15] : f32 from vector<16xf32>
    %eq3A_31 = arith.constant 1 : i32
    %eq3A_32 = vector.broadcast %eq3A_31 : i32 to vector<16xi32>
    %eq3A_33 = arith.cmpi eq, %iota3A, %eq3A_32 : vector<16xi32>
    %reduce_sum3A_34 = arith.constant true
    %reduce_sum3A_35 = vector.broadcast %reduce_sum3A_34 : i1 to vector<16xi1>
    %reduce_sum3A_36 = tpu.scan <sum>, %scan3A_24#1 masked %reduce_sum3A_35 : vector<16xf32>, vector<16xi1> -> vector<16xf32>
    %reduce_sum3A_37 = vector.extract %reduce_sum3A_36[15] : f32 from vector<16xf32>
    %jit3A = arith.constant 0.000000e+00 : f32
    %broadcast_in_dim3A_38 = vector.broadcast %reduce_sum3A_37 : f32 to vector<16xf32>
    %broadcast_in_dim3A_39 = vector.broadcast %jit3A : f32 to vector<16xf32>
    %select_n3A = arith.select %eq3A_33, %broadcast_in_dim3A_38, %broadcast_in_dim3A_39 : vector<16xi1>, vector<16xf32>
    %broadcast_in_dim3A_40 = vector.broadcast %reduce_sum3A_30 : f32 to vector<16xf32>
    %select_n3A_41 = arith.select %eq3A_27, %broadcast_in_dim3A_40, %select_n3A : vector<16xi1>, vector<16xf32>
    %swap3A = arith.constant 0 : index
    %swap3A_42 = tpu.vector_load %arg12[%swap3A] {strides = array<i32>} : memref<16xf32, #tpu.memory_space<vmem>>, vector<16xf32>,
    tpu.vector_store %arg12[%swap3A], %select_n3A_41 {strides = array<i32>} : memref<16xf32, #tpu.memory_space<vmem>>, vector<16xf32>,
    %mul3A_43 = arith.constant 2 : i32
    %mul3A_44 = arith.muli %mul3A_43, %arg1 : i32
    %add3A_45 = arith.addi %mul3A_44, %arg0 : i32
    "tpu.region"() ({
      %run_scoped3A = tpu.sem_alloc : memref<!tpu.dma_semaphore, #tpu.memory_space<semaphore_mem>>
      %dma_start3A = arith.constant 0 : i32
      %dma_start3A_46 = tpu.memref_slice %arg5[%add3A_45, %dma_start3A] : memref<32x16xf32, #tpu.memory_space<hbm>> -> memref<1x16xf32, #tpu.memory_space<hbm>>
      %dma_start3A_47 = tpu.memref_squeeze %dma_start3A_46 : memref<1x16xf32, #tpu.memory_space<hbm>> -> memref<16xf32, #tpu.memory_space<hbm>>
      %dma_start3A_48 = arith.constant 0 : i32
      %dma_start3A_49 = tpu.memref_slice %arg5[%add3A_45, %dma_start3A_48] : memref<32x16xf32, #tpu.memory_space<hbm>> -> memref<1x16xf32, #tpu.memory_space<hbm>>
      %dma_start3A_50 = tpu.memref_squeeze %dma_start3A_49 : memref<1x16xf32, #tpu.memory_space<hbm>> -> memref<16xf32, #tpu.memory_space<hbm>>
      tpu.enqueue_dma source(%arg12 : memref<16xf32, #tpu.memory_space<vmem>>) target(%dma_start3A_50 : memref<16xf32, #tpu.memory_space<hbm>>) target_semaphore(%run_scoped3A : memref<!tpu.dma_semaphore, #tpu.memory_space<semaphore_mem>>)
      %dma_wait3A = arith.constant 0 : i32
      %dma_wait3A_51 = tpu.memref_slice %arg5[%add3A_45, %dma_wait3A] : memref<32x16xf32, #tpu.memory_space<hbm>> -> memref<1x16xf32, #tpu.memory_space<hbm>>
      %dma_wait3A_52 = tpu.memref_squeeze %dma_wait3A_51 : memref<1x16xf32, #tpu.memory_space<hbm>> -> memref<16xf32, #tpu.memory_space<hbm>>
      %dma_wait3A_53 = arith.constant 0 : i32
      %dma_wait3A_54 = tpu.memref_slice %arg5[%add3A_45, %dma_wait3A_53] : memref<32x16xf32, #tpu.memory_space<hbm>> -> memref<1x16xf32, #tpu.memory_space<hbm>>
      %dma_wait3A_55 = tpu.memref_squeeze %dma_wait3A_54 : memref<1x16xf32, #tpu.memory_space<hbm>> -> memref<16xf32, #tpu.memory_space<hbm>>
      tpu.wait_dma2 semaphore(%run_scoped3A : memref<!tpu.dma_semaphore, #tpu.memory_space<semaphore_mem>>) src(%arg12 : memref<16xf32, #tpu.memory_space<vmem>>) dst(%dma_wait3A_55 : memref<16xf32, #tpu.memory_space<hbm>>)
      tpu.yield
    }) : () -> ()
    return
  }
}

module attributes {stable_mosaic.version = 14 : i64} {
  func.func @_mean_body(%arg0: memref<32x16xf32, #tpu.memory_space<vmem>>, %arg1: memref<1x1xf32, #tpu.memory_space<vmem>>) attributes {dimension_semantics = [], scalar_prefetch = 0 : i64, scratch_operands = 0 : i64, tpu.core_type = #tpu.core_type<tc>} {
    %get3A = arith.constant 0 : index
    %get3A_0 = arith.constant 0 : index
    %get3A_1 = vector.load %arg0[%get3A, %get3A_0] : memref<32x16xf32, #tpu.memory_space<vmem>>, vector<32x16xf32>
    %reshape3A = vector.shape_cast %get3A_1 : vector<32x16xf32> to vector<16x2x16xf32>
    %slice3A = vector.extract_strided_slice %reshape3A {offsets = [0, 0, 0], sizes = [16, 1, 1], strides = [1, 1, 1]} : vector<16x2x16xf32> to vector<16x1x1xf32>
    %squeeze3A = vector.shape_cast %slice3A : vector<16x1x1xf32> to vector<16xf32>
    %slice3A_2 = vector.extract_strided_slice %reshape3A {offsets = [0, 1, 0], sizes = [16, 1, 1], strides = [1, 1, 1]} : vector<16x2x16xf32> to vector<16x1x1xf32>
    %squeeze3A_3 = vector.shape_cast %slice3A_2 : vector<16x1x1xf32> to vector<16xf32>
    %add3A = arith.addf %squeeze3A, %squeeze3A_3 : vector<16xf32>
    %slice3A_4 = vector.extract_strided_slice %reshape3A {offsets = [0, 0, 1], sizes = [16, 1, 1], strides = [1, 1, 1]} : vector<16x2x16xf32> to vector<16x1x1xf32>
    %squeeze3A_5 = vector.shape_cast %slice3A_4 : vector<16x1x1xf32> to vector<16xf32>
    %slice3A_6 = vector.extract_strided_slice %reshape3A {offsets = [0, 1, 1], sizes = [16, 1, 1], strides = [1, 1, 1]} : vector<16x2x16xf32> to vector<16x1x1xf32>
    %squeeze3A_7 = vector.shape_cast %slice3A_6 : vector<16x1x1xf32> to vector<16xf32>
    %add3A_8 = arith.addf %squeeze3A_5, %squeeze3A_7 : vector<16xf32>
    %div3A = arith.divf %add3A, %add3A_8 : vector<16xf32>
    %reduce_sum3A = vector.shape_cast %div3A : vector<16xf32> to vector<1x16xf32>
    %reduce_sum3A_9 = arith.constant dense<0.000000e+00> : vector<1xf32>
    %reduce_sum3A_10 = vector.multi_reduction <add>, %reduce_sum3A, %reduce_sum3A_9 [1] : vector<1x16xf32> to vector<1xf32>
    %reduce_sum3A_11 = vector.shape_cast %reduce_sum3A_10 : vector<1xf32> to vector<1x1xf32>
    %reduce_sum3A_12 = vector.extract %reduce_sum3A_11[0, 0] : f32 from vector<1x1xf32>
    %div3A_13 = arith.constant 1.600000e+01 : f32
    %div3A_14 = arith.divf %reduce_sum3A_12, %div3A_13 : f32
    %reshape3A_15 = vector.broadcast %div3A_14 : f32 to vector<1x1xf32>
    %swap3A = arith.constant 0 : index
    %swap3A_16 = arith.constant 0 : index
    %swap3A_17 = vector.load %arg1[%swap3A, %swap3A_16] : memref<1x1xf32, #tpu.memory_space<vmem>>, vector<1x1xf32>
    tpu.vector_store %arg1[%swap3A, %swap3A_16], %reshape3A_15 {strides = array<i32>} : memref<1x1xf32, #tpu.memory_space<vmem>>, vector<1x1xf32>,
    return
  }
}

</mosaic_0001>

<sc_bundles>
// kernel: kernel.4.cloned.1.call-start
scs
__scs_entry_jumppad:
0x0: {  	(pc) =	sbr.rel $0x88, $3  }
0x1: {  	(tag) =	ssettag $0x0;
	lr =	simm.s32 $0x1  }
0x2: {  	[smem:$0x3F9E] =	sst lr;
	_ =	strace $0xD0000000  }
0x3: {  	_ = 	snop  }
0x4: {  	_ = 	snop  }
0x5: {  	_ = 	snop  }
0x6: {  	_ = 	snop  }
0x7: {  	_ = 	snop  }
__scs_overlays_trampoline_lowered:
0x8: {  	[smem:$0x3FAD] =	sst s0  }
0x9: {  	[smem:$0x3FAE] =	sst s1  }
0xa: {  	[smem:$0x3FAF] =	sst s2  }
0xb: {  	[smem:$0x3FB0] =	sst s3  }
0xc: {  	[smem:$0x3FB1] =	sst s4  }
0xd: {  	[smem:$0x3FB2] =	sst s5  }
0xe: {  	[smem:$0x3FB3] =	sst s6  }
0xf: {  	[smem:$0x3FB4] =	sst s7  }
0x10: {  	[smem:$0x3FB5] =	sst s8  }
0x11: {  	[smem:$0x3FB6] =	sst s9;
	s0 =	simm.s32 @!p0 $0x0  }
0x12: {  	s1 =	sld [smem:$0x3F9C];
	s0 =	simm.s32 @p0 $0x1  }
0x13: {  	[smem:$0x3FB7] =	sst s0;
	s0 =	simm.s32 @!p1 $0x0  }
0x14: {  	s2 =	sld [smem:$0x3F9B];
	s0 =	simm.s32 @p1 $0x1  }
0x15: {  	[smem:$0x3FB8] =	sst s0;
	s0 =	simm.s32 @!p2 $0x0  }
0x16: {  	s3 =	sld [smem:$0x3FDB];
	s0 =	simm.s32 @p2 $0x1  }
0x17: {  	s4 =	simm.s32 $0x1BF5;
	[smem:$0x3FBA] =	sst s0  }
0x18: {  	s0 =	sld [smem:$0x3F9D];
	_ =	swait.ge [sflag:s4], $0x0  }
0x19: {  	s7 =	sld [smem:$0x3F9E]  }
0x1a: {  	s8 =	sadd.s32 $0xFFFFE003, lr  }
0x1b: {  	s9 =	sadd.s32 $0xFFFFFEF7, lr;
	s5 =	simm.s32 $0xFFFFFFFF;
	p2 =	slt.u32 s8, $0xFFFFF086  }
0x1c: {  	p1 =	slt.u32 s9, $0xF7A;
	s5 =	simm.s32 @!p2 $0x0  }
0x1d: {  	s5 =	simm.s32 @p1 $0x1;
	p0 =	seq.s32 s7, s2  }
0x1e: {  	s7 =	smul.u32 @!p0 $0xF7A, s2;
	p2 =	seq.s32 @!p0 s5, $0x0  }
0x1f: {  	s9 =	smul.u32 $0xF7A, s1;
	s8 =	simm.s32 @!p0 $0x1BF5;
	p2 =	por !p2, p0  }
0x20: {  	[sflag:s8] =	ssyncset.s32 @!p0 $0xFFFFF086;
	s6 =	sadd.s32 @!p0 s3, s7;
	s7 =	simm.s32 @!p0 $0x108  }
0x21: {  	s3 =	sadd.s32 s3, s9;
	s6 =	sadd.s32 @!p0 $0x88, s6;
	s7 =	simm.s32 @p2 $0x1082  }
0x22: {  	[simem:s7], [sflag:s8] =	dma.local @!p0 [hbm:s6], $0xF7A  }
0x23: {  	s9 =	sor.u32 $0xD0000000, s2;
	s6 =	simm.s32 $0x108;
	_ =	swait.ge @!p0 [sflag:s8], $0x0  }
0x24: {  	s3 =	sadd.s32 $0x88, s3;
	s6 =	simm.s32 @!p1 $0x1082;
	[sflag:s4] =	ssyncset.s32 $0xFFFFF086  }
0x25: {  	[simem:s6], [sflag:s4] =	dma.local [hbm:s3], $0xF7A  }
0x26: {  	[smem:$0x3F9E] =	sst s1;
	(tag) =	ssettag s2;
	_ =	strace s9  }
0x27: {  	s1 =	sld [smem:$0x3FAE]  }
0x28: {  	s2 =	sld [smem:$0x3FAF]  }
0x29: {  	s4 =	sld [smem:$0x3FB1]  }
0x2a: {  	p0 =	seq.s32 s5, $0x0;
	s5 =	sld [smem:$0x3FB2]  }
0x2b: {  	s6 =	sld [smem:$0x3FB3]  }
0x2c: {  	s7 =	sld [smem:$0x3FB4]  }
0x2d: {  	s3 =	simm.s32 $0x108;
	s8 =	sld [smem:$0x3FB5]  }
0x2e: {  	s3 =	simm.s32 @!p0 $0x1082;
	s9 =	sld [smem:$0x3FB6]  }
0x2f: {  	lr =	sadd.s32 s0, s3;
	s0 =	sld [smem:$0x3FAD]  }
0x30: {  	s3 =	sld [smem:$0x3FB0]  }
0x31: {  	[smem:$0x3FB9] =	sst s10  }
0x32: {  	s10 =	sld [smem:$0x3FB7];
	_ =	sdelay $0x3  }
0x33: {  	p0 =	seq.s32 s10, $0x1;
	s10 =	sld [smem:$0x3FB9];
	_ =	sdelay $0x3  }
0x34: {  	[smem:$0x3FB9] =	sst s10  }
0x35: {  	s10 =	sld [smem:$0x3FB8];
	_ =	sdelay $0x3  }
0x36: {  	p1 =	seq.s32 s10, $0x1;
	s10 =	sld [smem:$0x3FB9];
	_ =	sdelay $0x3  }
0x37: {  	[smem:$0x3FB9] =	sst s10  }
0x38: {  	s10 =	sld [smem:$0x3FBA]  }
0x39: {  	_ = 	snop;
	(pc) =	sbr.ind lr, $3  }
0x3a: {  	_ = 	snop  }
0x3b: {  	_ = 	snop  }
0x3c: {  	p2 =	seq.s32 s10, $0x1;
	s10 =	sld [smem:$0x3FB9]  }
0x3d: {  	_ =	shalt  }
0x3e: {  	_ =	shalt  }
0x3f: {  	_ =	shalt  }
0x40: {  	_ =	shalt  }
0x41: {  	_ =	shalt  }
0x42: {  	_ =	shalt  }
0x43: {  	_ =	shalt  }
0x44: {  	_ =	shalt  }
0x45: {  	_ =	shalt  }
0x46: {  	_ =	shalt  }
0x47: {  	_ =	shalt  }
0x48: {  	_ =	shalt  }
0x49: {  	_ =	shalt  }
0x4a: {  	_ =	shalt  }
0x4b: {  	_ =	shalt  }
0x4c: {  	_ =	shalt  }
0x4d: {  	_ =	shalt  }
0x4e: {  	_ =	shalt  }
0x4f: {  	_ =	shalt  }
0x50: {  	_ =	shalt  }
0x51: {  	_ =	shalt  }
0x52: {  	_ =	shalt  }
0x53: {  	_ =	shalt  }
0x54: {  	_ =	shalt  }
0x55: {  	_ =	shalt  }
0x56: {  	_ =	shalt  }
0x57: {  	_ =	shalt  }
0x58: {  	_ =	shalt  }
0x59: {  	_ =	shalt  }
0x5a: {  	_ =	shalt  }
0x5b: {  	_ =	shalt  }
0x5c: {  	_ =	shalt  }
0x5d: {  	_ =	shalt  }
0x5e: {  	_ =	shalt  }
0x5f: {  	_ =	shalt  }
0x60: {  	_ =	shalt  }
0x61: {  	_ =	shalt  }
0x62: {  	_ =	shalt  }
0x63: {  	_ =	shalt  }
0x64: {  	_ =	shalt  }
0x65: {  	_ =	shalt  }
0x66: {  	_ =	shalt  }
0x67: {  	_ =	shalt  }
0x68: {  	_ =	shalt  }
0x69: {  	_ =	shalt  }
0x6a: {  	_ =	shalt  }
0x6b: {  	_ =	shalt  }
0x6c: {  	_ =	shalt  }
0x6d: {  	_ =	shalt  }
0x6e: {  	_ =	shalt  }
0x6f: {  	_ =	shalt  }
0x70: {  	_ =	shalt  }
0x71: {  	_ =	shalt  }
0x72: {  	_ =	shalt  }
0x73: {  	_ =	shalt  }
0x74: {  	_ =	shalt  }
0x75: {  	_ =	shalt  }
0x76: {  	_ =	shalt  }
0x77: {  	_ =	shalt  }
0x78: {  	_ =	shalt  }
0x79: {  	_ =	shalt  }
0x7a: {  	_ =	shalt  }
0x7b: {  	_ =	shalt  }
0x7c: {  	_ =	shalt  }
0x7d: {  	_ =	shalt  }
0x7e: {  	_ =	shalt  }
0x7f: {  	_ =	shalt  }
0x80: {  	_ =	shalt  }
0x81: {  	_ =	shalt  }
0x82: {  	_ =	shalt  }
0x83: {  	_ =	shalt  }
0x84: {  	_ =	shalt  }
0x85: {  	_ =	shalt  }
0x86: {  	_ =	shalt  }
0x87: {  	_ =	shalt  }
.Lfunc_end0:
.L_simem_size_0:
called_computation_lowered:
.L_overlay_start_0:
0x88: {  	s2 =	sld [smem:$0x3FD9]  }
0x89: {  	s3 =	sld [smem:$0x3FFE];
	_ =	sdelay $0x1  }
0x8a: {  	s1 =	srdreg.scid  }
0x8b: {  	s0 =	sand.u32 $0x1, s1  }
0x8c: {  	s17 =	sshll.u32 s0, $0xA;
	s2 =	sadd.s32 s3, s2  }
0x8d: {  	s2 =	sadd.s32 s2, s17  }
0x8e: {  	[smem:$0x3FC5] =	sst s2  }
0x8f: {  	_ = 	snop  }
0x90: {  	s2 =	sld [smem:$0x3FC7];
	(tm) =	ssettm $0x1  }
0x91: {  	s18 =	sld [smem:$0x3FFB];
	_ =	sdelay $0x3  }
0x92: {  	_ =	strace s18  }
0x93: {  	s3 =	sld [smem:$0x3FFC];
	_ =	sdelay $0x3  }
0x94: {  	_ =	strace s3  }
0x95: {  	s3 =	sld [smem:$0x3FFD];
	_ =	sdelay $0x3  }
0x96: {  	_ =	strace s3  }
0x97: {  	_ =	strace $0x8FFFFFFF  }
0x98: {  	s19 =	sld [smem:$0x3FDB];
	_ =	sdelay $0x1  }
0x99: {  	s4 =	simm.s32 $_scs_section_size  }
0x9a: {  	s5 =	simm.s32 $_size__tile_overlayer_lowered;
	s6 =	simm.s32 $_tile_overlayer_lowered  }
0x9b: {  	s22 =	simm.s32 $0x1BFF;
	s21 =	sshll.u32 s6, $0x1;
	s3 =	sadd.s32 s4, s19  }
0x9c: {  	s7 =	simm.s32 $0x0;
	s20 =	sshll.u32 s5, $0x1;
	s5 =	sadd.s32 s21, s3  }
0x9d: {  	[timem:s7], [sflag:s22] =	dma.local [hbm:s5], s20  }
0x9e: {  	_ =	swait.ge [sflag:s22], s20  }
0x9f: {  	s4 =	ssub.s32 $0x0, s20;
	[sflag:s22] =	ssyncset.done $0x0  }
0xa0: {  	[sflag:s22] =	ssyncadd.s32 s4;
	_ =	sdelay $0x1  }
0xa1: {  	s23 =	simm.s32 $0x1B8B  }
0xa2: {  	_ =	swait.ge [sflag:s23], $0x1  }
0xa3: {  	[sflag:s23] =	ssyncset.done $0x0  }
0xa4: {  	s25 =	simm.s32 $0x1B8E;
	s24 =	sld [smem:$0x3FFE];
	[sflag:s23] =	ssyncadd.s32 $0xFFFFFFFF  }
0xa5: {  	s26 =	simm.s32 $execute0_lowered;
	[smem:$0x3FD2] =	sst s25  }
0xa6: {  	s5 =	sshll.u32 s26, $0x1;
	_ =	strace $0x80000046;
	[dreg:$0x1] =	wrdreg $0xFFFFFFFF  }
0xa7: {  	s28 =	simm.s32 $_size_execute0_lowered;
	s3 =	sadd.s32 s3, s5;
	[dreg:$0x0] =	wrdreg $0x0  }
0xa8: {  	s5 =	sshll.u32 s28, $0x1;
	[dreg:$0x2] =	wrdreg s3  }
0xa9: {  	[dreg:$0x3] =	wrdreg s5  }
0xaa: {  	[dreg:$0x4] =	wrdreg $0xC0  }
0xab: {  	_ =	task [dreg:s7], $0x5FFFF  }
0xac: {  	[dreg:$0x1] =	wrdreg $0xFFFFFFFF  }
0xad: {  	[dreg:$0x0] =	wrdreg $0x60  }
0xae: {  	[dreg:$0x2] =	wrdreg s24  }
0xaf: {  	[dreg:$0x3] =	wrdreg s2  }
0xb0: {  	[dreg:$0x4] =	wrdreg $0x9  }
0xb1: {  	_ =	task.clear_ibuf [dreg:s7], $0x5FFFF;
	_ =	strace $0x90000046  }
0xb2: {  	s29 =	simm.s32 $0x9;
	_ =	strace $0x80000048  }
0xb3: {  	_ =	swait.ge [sflag:s29], $0x1  }
0xb4: {  	[sflag:s29] =	ssyncadd.s32 $0xFFFFFFFF  }
0xb5: {  	_ =	strace $0x90000048  }
0xb6: {  	_ =	sfence  }
0xb7: {  	s30 =	sld [smem:$0x0];
	_ =	sdelay $0x2  }
0xb8: {  	s31 =	sshll.u32 s1, $0xD;
	s1 =	sshrl.u32 s1, $0x2  }
0xb9: {  	s3 =	sand.u32 $0x4000, s31;
	s1 =	sadd.s32 s1, s30  }
0xba: {  	s0 =	sor.u32 s3, s0;
	s1 =	sshll.u32 s1, $0x11  }
0xbb: {  	s0 =	sor.u32 s1, s0  }
0xbc: {  	s0 =	sadd.s32 $0x8F2B, s0  }
0xbd: {  	[sflag:s0] =	ssyncadd.remote.s32 $0x1  }
0xbe: {  	_ =	sfence.sel $0xFFFF  }
0xbf: {  	[dreg:$0x0] =	wrdreg $0xFFFFFFFF;
	(pc) =	sbr.abs _section_cstart, $3  }
0xc0: {  	[dreg:$0x1] =	wrdreg $0xFFFFFFFF  }
0xc1: {  	_ =	task.clear_ibuf [dreg:s7], $0x2FFFF;
	_ =	strace $0x9FFFFFFF  }
0xc2: {  	(tm) =	ssettm $0x7FFFFFFF  }
0xc3: {  	_ =	shalt  }
tec
execute0_lowered:
.L_overlay_start_1:
0x0: {  	(tag) =	ssettag $0x1  }
0x1: {  	s5 =	rddreg [dreg:$0x0]  }
0x2: {  	s2 =	rddreg [dreg:$0x1]  }
0x3: {  	s0 =	rddreg [dreg:$0x2]  }
0x4: {  	s3 =	simm.s32 $0x0;
	s1 =	stileid.u32;
	s4 =	srdreg.scid  }
0x5: {  	s12 =	simm.s32 $0x1;
	s13 =	simm.s32 $0x3EF0;
	s14 =	simm.s32 $0x0  }
0x6: {  	[smem:$0x7FF] =	sst s3;
	s6 =	smul.u32 $0x5DC, s1;
	s7 =	sand.u32 $0x1, s4  }
0x7: {  	s4 =	sadd.s32 $0x6E00, s5;
	s10 =	smul.u32 $0x24000, s1;
	s11 =	sshll.u32 s1, $0x2  }
0x8: {  	_ =	strace $0x80000047;
	s8 =	sshll.u32 s7, $0x1;
	s31 =	ssub.s32 $0x2, s7  }
0x9: {  	v0 =	vlaneseq.u32;
	s6 =	sadd.s32 s6, s5;
	s8 =	sadd.s32 s8, s5;
	s9 =	sshrl.u32 s31, $0x1  }
0xa: {  	v7 =	vimm.s32 $0x0;
	v1 =	vmul.u32 $0x6, v0;
	v2 =	vmov s10;
	s10 =	simm.s32 $0x2EE0;
	s9 =	ssub.s32 s31, s9;
	s5 =	sadd.s32 $0x1000, s6  }
0xb: {  	vm0 =	vcmask $0x704;
	vm1 =	vcmask $0x3F04;
	v3 =	vmov s1;
	s8 =	sadd.s32 s11, s8;
	s6 =	sshll.u32 s7, $0x4;
	s11 =	simm.s32 $0x80  }
0xc: {  	v4 =	vor.u32 $0x1, v1;
	v5 =	vadd.s32 $0x2, v1;
	v6 =	vadd.s32 $0x3, v1;
	s7 =	sadd.s32 $0x4EE00, s8;
	s8 =	smax.u32 s9, $0x1;
	s9 =	simm.s32 $0x2  }
.LBB2_1:
0xd: {  	s17 =	sadd.s32 $0x0, s6  }
0xe: {  	[tilespmem:s3], [sflag:$0x2] =	stream.linear.gather [hbm4b:s5+s3], $0x2EE0, $0x38;
	v8 =	vmov s17;
	[tilespmem:$0x3F00] =	vst v63  }
0xf: {  	_ =	swait.ge [sflag:s9], $0x2EE0;
	v9 =	vmul.u32 $0x6, v8  }
0x10: {  	[sflag:s9] =	ssyncset.done $0x0  }
0x11: {  	[sflag:s9] =	ssyncadd.s32 $0xFFFFD120;
	v10 =	vadd.s32 v1, v9  }
0x12: {  	[tilespmem:s10], [sflag:$0x2] =	stream.linear.gather [hbm4b:s2+s3], $0x10, $0x38;
	v11 =	vadd.s32 v4, v9;
	[tilespmem:$0x3F00] =	vst v63  }
0x13: {  	v12 =	vadd.s32 v6, v9;
	_ =	swait.ge [sflag:s9], $0x10  }
0x14: {  	v9 =	vadd.s32 v5, v9;
	[sflag:s9] =	ssyncset.done $0x0  }
0x15: {  	[sflag:s9] =	ssyncadd.s32 $0xFFFFFFF0  }
0x16: {  	v10 =	vld.idx.msk [tilespmem:v10+s3+$0x0], $0xffff  }
0x17: {  	v11 =	vld.idx.msk [tilespmem:v11+s3+$0x0], $0xffff  }
0x18: {  	v12 =	vld.idx.msk [tilespmem:v12+s3+$0x0], $0xffff  }
0x19: {  	s15 =	sadd.s32 $0x20, s17;
	v9 =	vld.idx.msk [tilespmem:v9+s3+$0x0], $0xffff  }
0x1a: {  	v13 =	vmov s15  }
0x1b: {  	v14 =	vmul.u32 $0x6, v13  }
0x1c: {  	vm2 =	vlt.u32 v8, $0x7D0;
	v11 =	vmul.u32 $0x180, v11  }
0x1d: {  	v10 =	vadd.s32 v2, v10;
	v8 =	vmul.u32 $0x180, v12;
	v12 =	vadd.s32 v4, v14  }
0x1e: {  	v9 =	vadd.s32 v2, v9;
	v10 =	vadd.s32 v11, v10;
	v11 =	vadd.s32 v1, v14  }
0x1f: {  	s15 =	simm.s32 $0x2EF0;
	v8 =	vadd.s32 v8, v9;
	v9 =	vadd.s32 v6, v14;
	v10 =	vnsel vm2, $0x0, v10  }
0x20: {  	s16 =	simm.s32 $0x32F0;
	v8 =	vnsel vm2, $0x0, v8;
	[tilespmem:s15+$0x0] =	vst v10;
	v10 =	vadd.s32 v5, v14  }
0x21: {  	[tilespmem:s16+$0x0] =	vst v8  }
0x22: {  	v8 =	vld.idx.msk [tilespmem:v12+s3+$0x0], $0xffff  }
0x23: {  	v11 =	vld.idx.msk [tilespmem:v11+s3+$0x0], $0xffff  }
0x24: {  	v9 =	vld.idx.msk [tilespmem:v9+s3+$0x0], $0xffff  }
0x25: {  	s18 =	sadd.s32 $0x40, s17;
	v10 =	vld.idx.msk [tilespmem:v10+s3+$0x0], $0xffff  }
0x26: {  	v12 =	vmov s18  }
0x27: {  	v14 =	vmul.u32 $0x6, v12  }
0x28: {  	vm2 =	vlt.u32 v13, $0x7D0;
	v8 =	vmul.u32 $0x180, v8  }
0x29: {  	v13 =	vadd.s32 v4, v14;
	v11 =	vadd.s32 v2, v11;
	v9 =	vmul.u32 $0x180, v9  }
0x2a: {  	v8 =	vadd.s32 v8, v11;
	v11 =	vadd.s32 v1, v14;
	v10 =	vadd.s32 v2, v10  }
0x2b: {  	v8 =	vnsel vm2, $0x0, v8;
	v9 =	vadd.s32 v9, v10;
	v10 =	vadd.s32 v6, v14  }
0x2c: {  	[tilespmem:s15+$0x10] =	vst v8;
	v8 =	vadd.s32 v5, v14;
	v9 =	vnsel vm2, $0x0, v9  }
0x2d: {  	[tilespmem:s16+$0x10] =	vst v9  }
0x2e: {  	v9 =	vld.idx.msk [tilespmem:v13+s3+$0x0], $0xffff  }
0x2f: {  	v11 =	vld.idx.msk [tilespmem:v11+s3+$0x0], $0xffff  }
0x30: {  	v10 =	vld.idx.msk [tilespmem:v10+s3+$0x0], $0xffff  }
0x31: {  	s28 =	sadd.s32 $0x60, s17;
	v8 =	vld.idx.msk [tilespmem:v8+s3+$0x0], $0xffff  }
0x32: {  	v13 =	vmov s28  }
0x33: {  	v14 =	vmul.u32 $0x6, v13;
	v9 =	vmul.u32 $0x180, v9  }
0x34: {  	v11 =	vadd.s32 v2, v11  }
0x35: {  	v10 =	vmul.u32 $0x180, v10;
	v9 =	vadd.s32 v9, v11;
	v11 =	vadd.s32 v4, v14  }
0x36: {  	vm2 =	vlt.u32 v12, $0x7D0;
	v12 =	vadd.s32 v1, v14;
	v8 =	vadd.s32 v2, v8  }
0x37: {  	v9 =	vnsel vm2, $0x0, v9;
	v8 =	vadd.s32 v10, v8;
	v10 =	vadd.s32 v6, v14  }
0x38: {  	[tilespmem:s15+$0x20] =	vst v9;
	v9 =	vadd.s32 v5, v14;
	v8 =	vnsel vm2, $0x0, v8  }
0x39: {  	[tilespmem:s16+$0x20] =	vst v8  }
0x3a: {  	v11 =	vld.idx.msk [tilespmem:v11+s3+$0x0], $0xffff  }
0x3b: {  	v8 =	vld.idx.msk [tilespmem:v12+s3+$0x0], $0xffff  }
0x3c: {  	v10 =	vld.idx.msk [tilespmem:v10+s3+$0x0], $0xffff  }
0x3d: {  	s29 =	sadd.s32 $0x80, s17;
	v9 =	vld.idx.msk [tilespmem:v9+s3+$0x0], $0xffff  }
0x3e: {  	v12 =	vmov s29  }
0x3f: {  	v14 =	vmul.u32 $0x6, v12;
	v11 =	vmul.u32 $0x180, v11  }
0x40: {  	vm2 =	vlt.u32 v13, $0x7D0;
	v8 =	vadd.s32 v2, v8  }
0x41: {  	v13 =	vadd.s32 v1, v14;
	v10 =	vmul.u32 $0x180, v10;
	v8 =	vadd.s32 v11, v8  }
0x42: {  	v9 =	vadd.s32 v2, v9;
	v11 =	vadd.s32 v4, v14;
	v8 =	vnsel vm2, $0x0, v8  }
0x43: {  	v9 =	vadd.s32 v10, v9;
	[tilespmem:s15+$0x30] =	vst v8;
	v8 =	vadd.s32 v6, v14  }
0x44: {  	v10 =	vadd.s32 v5, v14;
	v9 =	vnsel vm2, $0x0, v9  }
0x45: {  	[tilespmem:s16+$0x30] =	vst v9  }
0x46: {  	v9 =	vld.idx.msk [tilespmem:v13+s3+$0x0], $0xffff  }
0x47: {  	v11 =	vld.idx.msk [tilespmem:v11+s3+$0x0], $0xffff  }
0x48: {  	v8 =	vld.idx.msk [tilespmem:v8+s3+$0x0], $0xffff  }
0x49: {  	s30 =	sadd.s32 $0xA0, s17;
	v10 =	vld.idx.msk [tilespmem:v10+s3+$0x0], $0xffff  }
0x4a: {  	v13 =	vmov s30  }
0x4b: {  	v14 =	vmul.u32 $0x6, v13  }
0x4c: {  	vm2 =	vlt.u32 v12, $0x7D0;
	v11 =	vmul.u32 $0x180, v11  }
0x4d: {  	v15 =	vadd.s32 v1, v14;
	v9 =	vadd.s32 v2, v9;
	v8 =	vmul.u32 $0x180, v8  }
0x4e: {  	v10 =	vadd.s32 v2, v10;
	v9 =	vadd.s32 v11, v9;
	v11 =	vadd.s32 v4, v14  }
0x4f: {  	v9 =	vnsel vm2, $0x0, v9;
	v8 =	vadd.s32 v8, v10;
	v10 =	vadd.s32 v6, v14  }
0x50: {  	[tilespmem:s15+$0x40] =	vst v9;
	v9 =	vadd.s32 v5, v14;
	v8 =	vnsel vm2, $0x0, v8  }
0x51: {  	[tilespmem:s16+$0x40] =	vst v8  }
0x52: {  	v8 =	vld.idx.msk [tilespmem:v15+s3+$0x0], $0xffff  }
0x53: {  	s31 =	sadd.s32 $0xC0, s17;
	v11 =	vld.idx.msk [tilespmem:v11+s3+$0x0], $0xffff  }
0x54: {  	v12 =	vor.u32 s31, v0;
	v10 =	vld.idx.msk [tilespmem:v10+s3+$0x0], $0xffff  }
0x55: {  	vm2 =	vlt.s32 v12, $0x7CF;
	v9 =	vld.idx.msk [tilespmem:v9+s3+$0x0], $0xffff  }
0x56: {  	v12 =	vnsel vm2, $0x7CF, v12  }
0x57: {  	v12 =	vmul.u32 $0x6, v12  }
0x58: {  	v11 =	vmul.u32 $0x180, v11  }
0x59: {  	v14 =	vor.u32 $0x1, v12;
	v8 =	vadd.s32 v2, v8;
	v10 =	vmul.u32 $0x180, v10  }
0x5a: {  	vm2 =	vlt.u32 v13, $0x7D0;
	v8 =	vadd.s32 v11, v8;
	v9 =	vadd.s32 v2, v9  }
0x5b: {  	v8 =	vnsel vm2, $0x0, v8;
	v9 =	vadd.s32 v10, v9;
	v10 =	vadd.s32 $0x3, v12  }
0x5c: {  	v11 =	vadd.s32 $0x2, v12;
	[tilespmem:s15+$0x50] =	vst v8;
	v9 =	vnsel vm2, $0x0, v9  }
0x5d: {  	[tilespmem:s16+$0x50] =	vst v9  }
0x5e: {  	v8 =	vld.idx.msk [tilespmem:v14+s3+$0x0], $0xffff  }
0x5f: {  	s19 =	sadd.s32 $0xE0, s17;
	v9 =	vld.idx.msk [tilespmem:v12+s3+$0x0], $0xffff  }
0x60: {  	v12 =	vor.u32 s19, v0;
	v10 =	vld.idx.msk [tilespmem:v10+s3+$0x0], $0xffff  }
0x61: {  	v11 =	vld.idx.msk [tilespmem:v11+s3+$0x0], $0xffff;
	vm2 =	vlt.s32 v12, $0x7CF  }
0x62: {  	v12 =	vnsel vm2, $0x7CF, v12  }
0x63: {  	v12 =	vmul.u32 $0x6, v12  }
0x64: {  	v13 =	vmov s31;
	v8 =	vmul.u32 $0x180, v8  }
0x65: {  	v9 =	vadd.s32 v2, v9;
	v14 =	vor.u32 $0x1, v12;
	v10 =	vmul.u32 $0x180, v10  }
0x66: {  	vm2 =	vlt.u32 v13, $0x7D0;
	v11 =	vadd.s32 v2, v11;
	v8 =	vadd.s32 v8, v9  }
0x67: {  	v13 =	vadd.s32 $0x3, v12;
	v8 =	vnsel vm2, $0x0, v8;
	v9 =	vadd.s32 v10, v11  }
0x68: {  	[tilespmem:s15+$0x60] =	vst v8;
	v8 =	vnsel vm2, $0x0, v9;
	v9 =	vadd.s32 $0x2, v12  }
0x69: {  	[tilespmem:s16+$0x60] =	vst v8  }
0x6a: {  	v10 =	vld.idx.msk [tilespmem:v14+s3+$0x0], $0xffff  }
0x6b: {  	s21 =	simm.s32 $0x3AF0;
	v11 =	vld.idx.msk [tilespmem:v12+s3+$0x0], $0xffff  }
0x6c: {  	s22 =	simm.s32 $0x100;
	s23 =	simm.s32 $0x2F70;
	s20 =	simm.s32 $0x3AF0;
	v12 =	vld.idx.msk [tilespmem:v13+s3+$0x0], $0xffff  }
0x6d: {  	s17 =	simm.s32 $0x36F0;
	s18 =	simm.s32 $0x32F0;
	v8 =	vmov s19;
	s19 =	simm.s32 $0x36F0;
	v9 =	vld.idx.msk [tilespmem:v9+s3+$0x0], $0xffff  }
.LBB2_2:
0x6e: {  	s17 =	sadd.s32 $0x80, s17;
	s21 =	sadd.s32 $0x80, s21;
	s16 =	sadd.s32 $0x80, s16  }
0x6f: {  	p0 =	sne.s32 s22, $0x700;
	s24 =	smov.u32 s22;
	s22 =	sadd.s32 $0x100, s22  }
0x70: {  	v10 =	vmul.u32 $0x180, v10  }
0x71: {  	v11 =	vadd.s32 v2, v11  }
0x72: {  	vm2 =	vlt.u32 v8, $0x7D0;
	v8 =	vadd.s32 v10, v11;
	v10 =	vmul.u32 $0x180, v12  }
0x73: {  	s24 =	sadd.s32 s24, s6;
	v8 =	vnsel vm2, $0x0, v8;
	v9 =	vadd.s32 v2, v9  }
0x74: {  	v17 =	vmov s24;
	s25 =	sadd.s32 $0x20, s24;
	s26 =	sadd.s32 $0x40, s24;
	s28 =	sadd.s32 $0x60, s24;
	v9 =	vadd.s32 v10, v9;
	[tilespmem:s15+$0x70] =	vst v8  }
0x75: {  	s29 =	sadd.s32 $0xA0, s24;
	s30 =	sadd.s32 $0xC0, s24;
	v18 =	vmov s25;
	s25 =	sadd.s32 $0x80, s24;
	v8 =	vmul.u32 $0x6, v17;
	v9 =	vnsel vm2, $0x0, v9  }
0x76: {  	v20 =	vmov s26;
	v15 =	vmov s28;
	s24 =	sadd.s32 $0xE0, s24;
	v19 =	vmul.u32 $0x6, v18;
	[tilespmem:s18+$0x70] =	vst v9  }
0x77: {  	v10 =	vadd.s32 v1, v8;
	v21 =	vadd.s32 v4, v8;
	v22 =	vadd.s32 v6, v8;
	[tilespmem:s19], [sflag:$0x1] =	stream.indirect.gather [hbm4b:s4+s11], $0x1, s15, s11, $0xb8;
	[tilespmem:$0x3F00] =	vst v63  }
0x78: {  	v24 =	vmul.u32 $0x6, v20;
	v25 =	vmul.u32 $0x6, v15;
	v23 =	vadd.s32 v5, v8;
	s19 =	smov.u32 s17;
	s15 =	smov.u32 s23  }
0x79: {  	v11 =	vmov s29;
	v14 =	vmov s25;
	[tilespmem:s20], [sflag:$0x1] =	stream.indirect.gather [hbm4b:s4+s11], $0x1, s18, s11, $0xb8;
	[tilespmem:$0x3F00] =	vst v63  }
0x7a: {  	v13 =	vmul.u32 $0x6, v11;
	v16 =	vmul.u32 $0x6, v14;
	v8 =	vor.u32 s30, v0;
	s20 =	smov.u32 s21;
	s18 =	smov.u32 s16  }
0x7b: {  	v26 =	vor.u32 s24, v0;
	v9 =	vmov s30;
	vm2 =	vlt.s32 v8, $0x7CF  }
0x7c: {  	v12 =	vnsel vm2, $0x7CF, v8;
	v8 =	vmov s24;
	vm2 =	vlt.s32 v26, $0x7CF;
	v27 =	vld.idx.msk [tilespmem:v10+s3+$0x0], $0xffff  }
0x7d: {  	v10 =	vnsel vm2, $0x7CF, v26;
	v21 =	vld.idx.msk [tilespmem:v21+s3+$0x0], $0xffff  }
0x7e: {  	v22 =	vld.idx.msk [tilespmem:v22+s3+$0x0], $0xffff  }
0x7f: {  	v23 =	vld.idx.msk [tilespmem:v23+s3+$0x0], $0xffff;
	_ =	sdelay $0x3  }
0x80: {  	v26 =	vadd.s32 v2, v27;
	v21 =	vmul.u32 $0x180, v21  }
0x81: {  	vm2 =	vlt.u32 v17, $0x7D0;
	v17 =	vmul.u32 $0x180, v22;
	v22 =	vadd.s32 v4, v19  }
0x82: {  	v21 =	vadd.s32 v21, v26;
	v23 =	vadd.s32 v2, v23;
	v26 =	vadd.s32 v1, v19  }
0x83: {  	v21 =	vnsel vm2, $0x0, v21;
	v17 =	vadd.s32 v17, v23;
	v23 =	vadd.s32 v6, v19  }
0x84: {  	v19 =	vadd.s32 v5, v19;
	v17 =	vnsel vm2, $0x0, v17;
	[tilespmem:s23+$0x0] =	vst v21  }
0x85: {  	[tilespmem:s16+$0x0] =	vst v17  }
0x86: {  	v17 =	vld.idx.msk [tilespmem:v22+s3+$0x0], $0xffff  }
0x87: {  	v21 =	vld.idx.msk [tilespmem:v26+s3+$0x0], $0xffff  }
0x88: {  	v22 =	vld.idx.msk [tilespmem:v23+s3+$0x0], $0xffff  }
0x89: {  	v19 =	vld.idx.msk [tilespmem:v19+s3+$0x0], $0xffff;
	_ =	sdelay $0x2  }
0x8a: {  	v17 =	vmul.u32 $0x180, v17  }
0x8b: {  	vm2 =	vlt.u32 v18, $0x7D0;
	v18 =	vadd.s32 v2, v21  }
0x8c: {  	v21 =	vadd.s32 v4, v24;
	v17 =	vadd.s32 v17, v18;
	v18 =	vmul.u32 $0x180, v22  }
0x8d: {  	v22 =	vadd.s32 v1, v24;
	v17 =	vnsel vm2, $0x0, v17;
	v19 =	vadd.s32 v2, v19  }
0x8e: {  	v18 =	vadd.s32 v18, v19;
	[tilespmem:s23+$0x10] =	vst v17;
	v17 =	vadd.s32 v5, v24  }
0x8f: {  	v19 =	vadd.s32 v6, v24;
	v18 =	vnsel vm2, $0x0, v18  }
0x90: {  	[tilespmem:s16+$0x10] =	vst v18  }
0x91: {  	v18 =	vld.idx.msk [tilespmem:v21+s3+$0x0], $0xffff  }
0x92: {  	v21 =	vld.idx.msk [tilespmem:v22+s3+$0x0], $0xffff  }
0x93: {  	v17 =	vld.idx.msk [tilespmem:v17+s3+$0x0], $0xffff  }
0x94: {  	v19 =	vld.idx.msk [tilespmem:v19+s3+$0x0], $0xffff;
	_ =	sdelay $0x2  }
0x95: {  	v18 =	vmul.u32 $0x180, v18  }
0x96: {  	v21 =	vadd.s32 v2, v21  }
0x97: {  	vm2 =	vlt.u32 v20, $0x7D0;
	v18 =	vadd.s32 v18, v21;
	v17 =	vadd.s32 v2, v17  }
0x98: {  	v20 =	vadd.s32 v1, v25;
	v18 =	vnsel vm2, $0x0, v18;
	v19 =	vmul.u32 $0x180, v19  }
0x99: {  	[tilespmem:s23+$0x20] =	vst v18;
	v18 =	vadd.s32 v4, v25  }
0x9a: {  	v17 =	vadd.s32 v19, v17;
	v19 =	vadd.s32 v6, v25  }
0x9b: {  	v21 =	vadd.s32 v5, v25;
	v17 =	vnsel vm2, $0x0, v17  }
0x9c: {  	[tilespmem:s16+$0x20] =	vst v17  }
0x9d: {  	v17 =	vld.idx.msk [tilespmem:v20+s3+$0x0], $0xffff  }
0x9e: {  	v18 =	vld.idx.msk [tilespmem:v18+s3+$0x0], $0xffff  }
0x9f: {  	v19 =	vld.idx.msk [tilespmem:v19+s3+$0x0], $0xffff  }
0xa0: {  	v20 =	vld.idx.msk [tilespmem:v21+s3+$0x0], $0xffff;
	_ =	sdelay $0x3  }
0xa1: {  	vm2 =	vlt.u32 v15, $0x7D0;
	v15 =	vmul.u32 $0x180, v18  }
0xa2: {  	v17 =	vadd.s32 v2, v17;
	v18 =	vmul.u32 $0x180, v19;
	v19 =	vadd.s32 v1, v16  }
0xa3: {  	v15 =	vadd.s32 v15, v17;
	v17 =	vadd.s32 v2, v20;
	v20 =	vadd.s32 v4, v16  }
0xa4: {  	v15 =	vnsel vm2, $0x0, v15;
	v17 =	vadd.s32 v18, v17;
	v18 =	vadd.s32 v5, v16  }
0xa5: {  	v17 =	vnsel vm2, $0x0, v17;
	[tilespmem:s23+$0x30] =	vst v15;
	v15 =	vadd.s32 v6, v16  }
0xa6: {  	[tilespmem:s16+$0x30] =	vst v17  }
0xa7: {  	v16 =	vld.idx.msk [tilespmem:v19+s3+$0x0], $0xffff  }
0xa8: {  	v17 =	vld.idx.msk [tilespmem:v20+s3+$0x0], $0xffff  }
0xa9: {  	v18 =	vld.idx.msk [tilespmem:v18+s3+$0x0], $0xffff  }
0xaa: {  	v15 =	vld.idx.msk [tilespmem:v15+s3+$0x0], $0xffff;
	_ =	sdelay $0x3  }
0xab: {  	v16 =	vadd.s32 v2, v16;
	v17 =	vmul.u32 $0x180, v17  }
0xac: {  	v19 =	vadd.s32 v1, v13;
	v18 =	vadd.s32 v2, v18  }
0xad: {  	vm2 =	vlt.u32 v14, $0x7D0;
	v14 =	vadd.s32 v17, v16;
	v15 =	vmul.u32 $0x180, v15  }
0xae: {  	v16 =	vadd.s32 v4, v13;
	v14 =	vnsel vm2, $0x0, v14  }
0xaf: {  	v15 =	vadd.s32 v15, v18;
	[tilespmem:s23+$0x40] =	vst v14;
	v14 =	vadd.s32 v6, v13  }
0xb0: {  	v15 =	vnsel vm2, $0x0, v15;
	v13 =	vadd.s32 v5, v13  }
0xb1: {  	[tilespmem:s16+$0x40] =	vst v15  }
0xb2: {  	v15 =	vld.idx.msk [tilespmem:v19+s3+$0x0], $0xffff  }
0xb3: {  	v16 =	vld.idx.msk [tilespmem:v16+s3+$0x0], $0xffff  }
0xb4: {  	v14 =	vld.idx.msk [tilespmem:v14+s3+$0x0], $0xffff  }
0xb5: {  	v13 =	vld.idx.msk [tilespmem:v13+s3+$0x0], $0xffff;
	_ =	sdelay $0x2  }
0xb6: {  	v12 =	vmul.u32 $0x6, v12  }
0xb7: {  	vm2 =	vlt.u32 v11, $0x7D0;
	v11 =	vmul.u32 $0x180, v16  }
0xb8: {  	v15 =	vadd.s32 v2, v15;
	v16 =	vadd.s32 $0x2, v12;
	v14 =	vmul.u32 $0x180, v14  }
0xb9: {  	v11 =	vadd.s32 v11, v15;
	v13 =	vadd.s32 v2, v13;
	v15 =	vor.u32 $0x1, v12  }
0xba: {  	v11 =	vnsel vm2, $0x0, v11;
	v13 =	vadd.s32 v14, v13  }
0xbb: {  	v13 =	vnsel vm2, $0x0, v13;
	[tilespmem:s23+$0x50] =	vst v11;
	v11 =	vadd.s32 $0x3, v12  }
0xbc: {  	[tilespmem:s16+$0x50] =	vst v13  }
0xbd: {  	v13 =	vld.idx.msk [tilespmem:v16+s3+$0x0], $0xffff  }
0xbe: {  	v14 =	vld.idx.msk [tilespmem:v15+s3+$0x0], $0xffff  }
0xbf: {  	v12 =	vld.idx.msk [tilespmem:v12+s3+$0x0], $0xffff  }
0xc0: {  	v11 =	vld.idx.msk [tilespmem:v11+s3+$0x0], $0xffff;
	_ =	sdelay $0x3  }
0xc1: {  	v15 =	vmul.u32 $0x6, v10;
	v14 =	vmul.u32 $0x180, v14  }
0xc2: {  	vm2 =	vlt.u32 v9, $0x7D0;
	v10 =	vadd.s32 v2, v13;
	v9 =	vadd.s32 v2, v12  }
0xc3: {  	v12 =	vor.u32 $0x1, v15;
	v9 =	vadd.s32 v14, v9;
	v11 =	vmul.u32 $0x180, v11  }
0xc4: {  	v9 =	vnsel vm2, $0x0, v9  }
0xc5: {  	v10 =	vadd.s32 v11, v10;
	[tilespmem:s23+$0x60] =	vst v9;
	v9 =	vadd.s32 $0x3, v15  }
0xc6: {  	v13 =	vadd.s32 $0x2, v15;
	v10 =	vnsel vm2, $0x0, v10  }
.Ltmp0:
0xc7: {  	[tilespmem:s16+$0x60] =	vst v10;
	(pc) =	sbr.rel @p0 .LBB2_2-.Ltmp0, $4  }
0xc8: {  	v10 =	vld.idx.msk [tilespmem:v12+s3+$0x0], $0xffff  }
0xc9: {  	v11 =	vld.idx.msk [tilespmem:v15+s3+$0x0], $0xffff  }
0xca: {  	v12 =	vld.idx.msk [tilespmem:v9+s3+$0x0], $0xffff  }
0xcb: {  	s23 =	sadd.s32 $0x80, s23;
	v9 =	vld.idx.msk [tilespmem:v13+s3+$0x0], $0xffff  }
0xcc: {  	_ =	sdelay $0x1  }
0xcd: {  	v10 =	vmul.u32 $0x180, v10  }
0xce: {  	v11 =	vadd.s32 v2, v11;
	v12 =	vmul.u32 $0x180, v12  }
0xcf: {  	vm2 =	vlt.u32 v8, $0x7D0;
	v8 =	vadd.s32 v10, v11;
	v9 =	vadd.s32 v2, v9  }
0xd0: {  	v8 =	vnsel vm2, $0x0, v8;
	v9 =	vadd.s32 v12, v9  }
0xd1: {  	[tilespmem:s15+$0x70] =	vst v8;
	v8 =	vnsel vm2, $0x0, v9  }
0xd2: {  	[tilespmem:s18+$0x70] =	vst v8  }
0xd3: {  	[tilespmem:s19], [sflag:$0x1] =	stream.indirect.gather [hbm4b:s4+s11], $0x1, s15, s11, $0xb8;
	[tilespmem:$0x3F00] =	vst v63  }
0xd4: {  	_ = 	snop  }
0xd5: {  	[tilespmem:s20], [sflag:$0x1] =	stream.indirect.gather [hbm4b:s4+s11], $0x1, s18, s11, $0xb8;
	[tilespmem:$0x3F00] =	vst v63  }
0xd6: {  	_ =	swait.ge [sflag:s12], $0x80  }
0xd7: {  	[sflag:s12] =	ssyncset.done $0x0  }
0xd8: {  	[sflag:s12] =	ssyncadd.s32 $0xFFFFFF80  }
0xd9: {  	_ =	swait.ge [sflag:s12], $0x80  }
0xda: {  	[sflag:s12] =	ssyncset.done $0x0  }
0xdb: {  	[sflag:s12] =	ssyncadd.s32 $0xFFFFFF80  }
0xdc: {  	_ =	swait.ge [sflag:s12], $0x80  }
0xdd: {  	[sflag:s12] =	ssyncset.done $0x0  }
0xde: {  	[sflag:s12] =	ssyncadd.s32 $0xFFFFFF80  }
0xdf: {  	_ =	swait.ge [sflag:s12], $0x80  }
0xe0: {  	[sflag:s12] =	ssyncset.done $0x0  }
0xe1: {  	[sflag:s12] =	ssyncadd.s32 $0xFFFFFF80  }
0xe2: {  	_ =	swait.ge [sflag:s12], $0x80  }
0xe3: {  	[sflag:s12] =	ssyncset.done $0x0  }
0xe4: {  	[sflag:s12] =	ssyncadd.s32 $0xFFFFFF80  }
0xe5: {  	_ =	swait.ge [sflag:s12], $0x80  }
0xe6: {  	[sflag:s12] =	ssyncset.done $0x0  }
0xe7: {  	[sflag:s12] =	ssyncadd.s32 $0xFFFFFF80  }
0xe8: {  	_ =	swait.ge [sflag:s12], $0x80  }
0xe9: {  	[sflag:s12] =	ssyncset.done $0x0  }
0xea: {  	[sflag:s12] =	ssyncadd.s32 $0xFFFFFF80  }
0xeb: {  	_ =	swait.ge [sflag:s12], $0x80  }
0xec: {  	[sflag:s12] =	ssyncset.done $0x0  }
0xed: {  	[sflag:s12] =	ssyncadd.s32 $0xFFFFFF80  }
0xee: {  	_ =	swait.ge [sflag:s12], $0x80  }
0xef: {  	[sflag:s12] =	ssyncset.done $0x0  }
0xf0: {  	[sflag:s12] =	ssyncadd.s32 $0xFFFFFF80  }
0xf1: {  	_ =	swait.ge [sflag:s12], $0x80  }
0xf2: {  	[sflag:s12] =	ssyncset.done $0x0  }
0xf3: {  	[sflag:s12] =	ssyncadd.s32 $0xFFFFFF80  }
0xf4: {  	_ =	swait.ge [sflag:s12], $0x80  }
0xf5: {  	[sflag:s12] =	ssyncset.done $0x0  }
0xf6: {  	[sflag:s12] =	ssyncadd.s32 $0xFFFFFF80  }
0xf7: {  	_ =	swait.ge [sflag:s12], $0x80  }
0xf8: {  	[sflag:s12] =	ssyncset.done $0x0  }
0xf9: {  	[sflag:s12] =	ssyncadd.s32 $0xFFFFFF80  }
0xfa: {  	_ =	swait.ge [sflag:s12], $0x80  }
0xfb: {  	[sflag:s12] =	ssyncset.done $0x0  }
0xfc: {  	[sflag:s12] =	ssyncadd.s32 $0xFFFFFF80  }
0xfd: {  	_ =	swait.ge [sflag:s12], $0x80  }
0xfe: {  	[sflag:s12] =	ssyncset.done $0x0  }
0xff: {  	[sflag:s12] =	ssyncadd.s32 $0xFFFFFF80  }
0x100: {  	_ =	swait.ge [sflag:s12], $0x80  }
0x101: {  	[sflag:s12] =	ssyncset.done $0x0  }
0x102: {  	[sflag:s12] =	ssyncadd.s32 $0xFFFFFF80  }
0x103: {  	_ =	swait.ge [sflag:s12], $0x80  }
0x104: {  	[sflag:s12] =	ssyncset.done $0x0  }
0x105: {  	s29 =	simm.s32 $0x0;
	[sflag:s12] =	ssyncadd.s32 $0xFFFFFF80  }
0x106: {  	v10 =	vld [tilespmem:s29+$0x3AF0]  }
0x107: {  	v14 =	vld [tilespmem:s29+$0x36F0];
	_ =	sdelay $0x3  }
0x108: {  	v8 =	vadd.f32 $1.000000010e-10, v10  }
0x109: {  	v17 =	vor.u32 s6, v0;
	v9 =	vadd.f32 $1.000000010e-10, v14  }
0x10a: {  	vm2 =	vlt.s32 v17, $0x7CF;
	(erf) = vrcp.f32 v8  }
0x10b: {  	s30 =	simm.s32 $0x10;
	v8 =	vnsel vm2, $0x7CF, v17;
	(erf) = vrcp.f32 v9  }
0x10c: {  	v12 =	vld [tilespmem:s30+$0x3AF0];
	v8 =	vmul.u32 $0x6, v8  }
0x10d: {  	v15 =	vld [tilespmem:s30+$0x36F0]  }
0x10e: {  	v13 =	vadd.s32 $0x4, v8  }
0x10f: {  	v18 =	vadd.s32 $0x5, v8  }
0x110: {  	s31 =	sadd.s32 $0x20, s6;
	s16 =	simm.s32 $0x20  }
0x111: {  	v11 =	vor.u32 s31, v0;
	v16 =	vadd.f32 $1.000000010e-10, v12;
	v9 =	vld [tilespmem:s16+$0x3AF0]  }
0x112: {  	v21 =	vadd.f32 $1.000000010e-10, v15;
	vm2 =	vlt.s32 v11, $0x7CF;
	v8 =	vld.idx.msk [tilespmem:v3+s10+$0x0], $0xffff  }
0x113: {  	v19 =	vnsel vm2, $0x7CF, v11;
	v22 =	vld.idx.msk [tilespmem:v13+s3+$0x0], $0xffff;
	v20 =	vpop (erf);
	(erf) = vrcp.f32 v16  }
0x114: {  	v19 =	vmul.u32 $0x6, v19;
	v18 =	vld.idx.msk [tilespmem:v18+s3+$0x0], $0xffff;
	v23 =	vpop (erf);
	(erf) = vrcp.f32 v21  }
0x115: {  	v16 =	vld [tilespmem:s16+$0x36F0];
	v14 =	vmul.f32 v20, v14;
	v23 =	vmul.f32 v23, v10  }
0x116: {  	s15 =	sadd.s32 $0x20, s31;
	v24 =	vadd.s32 $0x4, v19;
	v13 =	vimm.f32 $0.0e+00;
	v20 =	vadd.s32 $0x5, v19  }
0x117: {  	v10 =	vor.u32 s15, v0;
	vm2 =	vgt.f32 v14, $1.100000020e+00;
	vm3 =	vgt.f32 v23, $1.100000020e+00  }
0x118: {  	v14 =	vsel vm2, $0x2, v7;
	vm2 =	vlt.s32 v17, v8;
	v17 =	vadd.f32 $1.000000010e-10, v9  }
0x119: {  	s17 =	simm.s32 $0x30;
	vm4 =	vlt.s32 v10, $0x7CF;
	v19 =	vcvt.s32.f32 v18;
	v23 =	vsel vm3, $0x1, v14  }
0x11a: {  	v21 =	vadd.f32 $1.000000010e-10, v16;
	v14 =	vld [tilespmem:s17+$0x3AF0];
	vm3 =	vne.s32 v23, v22;
	(erf) = vrcp.f32 v17  }
0x11b: {  	s16 =	simm.s32 $0x100;
	v18 =	vld.idx.msk [tilespmem:v24+s3+$0x0], $0xffff;
	v22 =	vnsel vm4, $0x7CF, v10;
	v17 =	vimm.f32 $0.0e+00;
	vm3 =	vmand vm2, vm3  }
.LBB2_4:
0x11c: {  	p0 =	sne.s32 s16, $0xF80;
	v22 =	vmul.u32 $0x6, v22;
	(erf) = vrcp.f32 v21;
	v23 =	vld.idx.msk [tilespmem:v20+s3+$0x0], $0xffff;
	v20 =	vpop (erf);
	v21 =	vnsel vm3, $0x0, v19  }
0x11d: {  	v19 =	vnsel vm2, $0x0, v19;
	v24 =	vld [tilespmem:s17+$0x36F0];
	v25 =	vmul.f32 v20, v15;
	v15 =	vpop (erf);
	v13 =	vadd.f32 v21, v13  }
0x11e: {  	s15 =	sadd.s32 $0x20, s15;
	v17 =	vadd.f32 v19, v17;
	v26 =	vadd.s32 $0x4, v22;
	v21 =	vmul.f32 v15, v12;
	v15 =	vmovc v16;
	v12 =	vmovc v9  }
.Ltmp1:
0x11f: {  	v16 =	vor.u32 s15, v0;
	v20 =	vadd.s32 $0x5, v22;
	vm2 =	vgt.f32 v25, $1.100000020e+00;
	v9 =	vmovc v14;
	(pc) =	sbr.rel @p0 .LBB2_4-.Ltmp1, $4  }
0x120: {  	vm3 =	vgt.f32 v21, $1.100000020e+00;
	v14 =	vsel vm2, $0x2, v7;
	vm2 =	vlt.s32 v11, v8;
	v11 =	vmovc v10;
	v10 =	vmovc v16  }
0x121: {  	s17 =	sshra.s32 s16, $0x2;
	v25 =	vadd.f32 $1.000000010e-10, v9;
	vm4 =	vlt.s32 v10, $0x7CF;
	v22 =	vsel vm3, $0x1, v14  }
0x122: {  	v19 =	vcvt.s32.f32 v23;
	v14 =	vld [tilespmem:s17+$0x3AF0];
	v21 =	vadd.f32 $1.000000010e-10, v24;
	vm3 =	vne.s32 v22, v18;
	v16 =	vmovc v24  }
0x123: {  	s16 =	sadd.s32 $0x40, s16;
	v22 =	vnsel vm4, $0x7CF, v10;
	(erf) = vrcp.f32 v25;
	v18 =	vld.idx.msk [tilespmem:v26+s3+$0x0], $0xffff;
	vm3 =	vmand vm2, vm3  }
0x124: {  	v23 =	vld [tilespmem:s17+$0x36F0];
	_ =	sdelay $0x3  }
0x125: {  	(erf) = vrcp.f32 v21;
	s15 =	sadd.s32 $0x20, s15;
	v35 =	vadd.f32 $1.000000010e-10, v14  }
0x126: {  	v22 =	vmul.u32 $0x6, v22;
	v25 =	vor.u32 s15, v0;
	v26 =	vadd.f32 $1.000000010e-10, v23  }
0x127: {  	v24 =	vpop (erf);
	vm4 =	vlt.s32 v25, $0x7CF;
	(erf) = vrcp.f32 v35  }
0x128: {  	v20 =	vld.idx.msk [tilespmem:v20+s3+$0x0], $0xffff;
	v36 =	vpop (erf);
	v37 =	vadd.s32 $0x4, v22;
	v38 =	vnsel vm4, $0x7CF, v25;
	(erf) = vrcp.f32 v26  }
0x129: {  	v15 =	vmul.f32 v24, v15;
	v39 =	vadd.s32 $0x5, v22;
	v40 =	vmul.u32 $0x6, v38  }
0x12a: {  	v41 =	vnsel vm3, $0x0, v19;
	v47 =	vnsel vm2, $0x0, v19;
	v12 =	vmul.f32 v36, v12  }
0x12b: {  	v13 =	vadd.f32 v41, v13;
	vm3 =	vgt.f32 v15, $1.100000020e+00;
	v43 =	vadd.s32 $0x4, v40  }
0x12c: {  	vm13 =	vgt.f32 v12, $1.100000020e+00;
	v42 =	vsel vm3, $0x2, v7;
	v22 =	vadd.s32 $0x5, v40  }
0x12d: {  	v17 =	vadd.f32 v47, v17;
	v12 =	vsel vm13, $0x1, v42;
	v44 =	vcvt.s32.f32 v20;
	v45 =	vld.idx.msk [tilespmem:v37+s3+$0x0], $0xffff;
	v46 =	vpop (erf)  }
0x12e: {  	vm3 =	vlt.s32 v11, v8;
	vm4 =	vne.s32 v12, v18;
	v48 =	vld.idx.msk [tilespmem:v39+s3+$0x0], $0xffff;
	v16 =	vmul.f32 v46, v16;
	v49 =	vpop (erf)  }
0x12f: {  	vm2 =	vmand vm3, vm4;
	v11 =	vnsel vm3, $0x0, v44;
	v9 =	vmul.f32 v49, v9  }
0x130: {  	v50 =	vnsel vm2, $0x0, v44;
	v58 =	vadd.f32 v11, v17;
	vm2 =	vgt.f32 v16, $1.100000020e+00;
	v15 =	vld.idx.msk [tilespmem:v43+s3+$0x0], $0xffff;
	v51 =	vpop (erf)  }
0x131: {  	v53 =	vld.idx.msk [tilespmem:v22+s3+$0x0], $0xffff;
	vm3 =	vgt.f32 v9, $1.100000020e+00;
	v52 =	vsel vm2, $0x2, v7;
	v16 =	vmul.f32 v51, v23;
	v54 =	vpop (erf)  }
0x132: {  	vm2 =	vlt.s32 v10, v8;
	v9 =	vsel vm3, $0x1, v52;
	v55 =	vmul.f32 v54, v14  }
0x133: {  	v56 =	vcvt.s32.f32 v48;
	vm3 =	vne.s32 v9, v45;
	vm14 =	vgt.f32 v16, $1.100000020e+00  }
0x134: {  	vm3 =	vmand vm2, vm3;
	v57 =	vsel vm14, $0x2, v7;
	vm15 =	vgt.f32 v55, $1.100000020e+00  }
0x135: {  	v13 =	vadd.f32 v50, v13;
	v59 =	vnsel vm3, $0x0, v56;
	v9 =	vsel vm15, $0x1, v57  }
0x136: {  	vm3 =	vlt.s32 v25, v8;
	v8 =	vcvt.s32.f32 v53;
	vm4 =	vne.s32 v9, v15  }
0x137: {  	v61 =	vnsel vm2, $0x0, v56;
	v60 =	vadd.f32 v59, v13;
	vm2 =	vmand vm3, vm4  }
0x138: {  	v10 =	vadd.f32 v61, v58;
	v62 =	vnsel vm2, $0x0, v8  }
0x139: {  	v8 =	vnsel vm3, $0x0, v8;
	v9 =	vadd.f32 v62, v60  }
0x13a: {  	v8 =	vadd.f32 v8, v10  }
0x13b: {  	(xrf2) =	vadd.scan.msk.f32 $0xffff, v9  }
0x13c: {  	(xrf2) =	vadd.scan.msk.f32 $0xffff, v8;
	_ =	sdelay $0x8  }
0x13d: {  	v8, _, _ =	vpop (xrf2)  }
0x13e: {  	v63, _, _ =	vpop (xrf2)  }
0x13f: {  	v9 =	vbroadcast v63, $0xF  }
0x140: {  	v8 =	vbroadcast v8, $0xF  }
0x141: {  	s14 =	sadd.s32 $0x1, s14;
	v9 =	vnsel vm0, $0x0, v9  }
0x142: {  	p0 =	sne.s32 s14, s8;
	v8 =	vsel vm1, v9, v8  }
.Ltmp2:
0x143: {  	[tilespmem:$0x3EF0] =	vst v8;
	(pc) =	sbr.rel @p0 .LBB2_1-.Ltmp2, $4  }
0x144: {  	[hbm4b:s7+s3] =	stream.linear.scatter [tilespmem:s13], [sflag:$0x2], $0x10, $0x38;
	[tilespmem:$0x3F00] =	vst v63  }
0x145: {  	_ =	swait.ge [sflag:s9], $0x10  }
0x146: {  	[sflag:s9] =	ssyncset.done $0x0  }
0x147: {  	[sflag:s9] =	ssyncadd.s32 $0xFFFFFFF0  }
0x148: {  	_ =	sfence.sel $0x180000  }
0x149: {  	[bflag:$0x0] =	sbarrier.arrive $0xFFFF  }
0x14a: {  	p0 =	sne.s32 s1, $0x0;
	_ =	strace $0x90000047  }
0x14b: {  	s0 =	sadd.s32 @!p0 $0x100000, s0;
	[bflag:$0x2] =	sbarrier.arrive $0xFFFF  }
0x14c: {  	[sflag:s0] =	ssyncadd.tile.s32 @!p0 $0x1;
	_ =	shalt  }
.Lfunc_end2:
_tile_overlayer_lowered:
.L_overlay_start_2:
0x14d: {  	(tag) =	ssettag $0x2  }
0x14e: {  	s0 =	rddreg [dreg:$0x0];
	s2 =	stileid.u32  }
0x14f: {  	s1 =	rddreg [dreg:$0x1];
	p0 =	sne.s32 s2, $0x0  }
0x150: {  	s3 =	rddreg [dreg:$0x2];
	[bflag:$0x3] =	sbarrier.arrive $0xFFFF;
	s2 =	simm.s32 @!p0 $0x1C02  }
0x151: {  	[timem:s3], [sflag:s2] =	dma.local @!p0 [hbm:s0], s1  }
0x152: {  	s0 =	simm.s32 @!p0 $0x2  }
0x153: {  	_ =	swait.ge @!p0 [sflag:s0], s1  }
0x154: {  	s1 =	ssub.s32 @!p0 $0x0, s1;
	[sflag:s0] =	ssyncset.done @!p0 $0x0  }
0x155: {  	[sflag:s0] =	ssyncadd.s32 @!p0 s1  }
0x156: {  	[bflag:$0x3] =	sbarrier.arrive $0xFFFF  }
0x157: {  	_ =	shalt  }

</sc_bundles>
